<compile_context>
chip_gen: v7x
topology: tpu7x:2x2x1
jax: 0.10.2.dev20260603
libtpu: 0.0.44.dev20260713+nightly
codegen_flags: <defaults>
</compile_context>

<pallas_src>
import functools

import jax
import jax.numpy as jnp
from jax import lax
from jax.experimental import pallas as pl
from jax.experimental.pallas import tpu as pltpu
from jax.experimental.pallas import tpu_sc as plsc

_NC = 2
_NS = 16
_NW = _NC * _NS
_CH = 128


@functools.lru_cache(maxsize=None)
def _build(BN, V, D, N):
    rows_per_w = BN // _NW
    n_ch = rows_per_w // _CH
    _NB = 8
    n_rounds = n_ch // _NB
    mesh = plsc.VectorSubcoreMesh(core_axis_name="c", subcore_axis_name="s")

    @functools.partial(
        pl.kernel,
        mesh=mesh,
        out_type=jax.ShapeDtypeStruct((BN, D), jnp.float32),
        scratch_types=[
            pltpu.VMEM((n_ch, _CH), jnp.int32),
            pltpu.VMEM((_CH, D), jnp.float32),
            pltpu.VMEM((_CH, D), jnp.float32),
            pltpu.VMEM((_CH, D), jnp.float32),
            pltpu.VMEM((_CH, D), jnp.float32),
            pltpu.VMEM((_CH, D), jnp.float32),
            pltpu.VMEM((_CH, D), jnp.float32),
            pltpu.VMEM((_CH, D), jnp.float32),
            pltpu.VMEM((_CH, D), jnp.float32),
            pltpu.VMEM_SHARED((N + _CH, D), jnp.float32),
            pltpu.SemaphoreType.DMA,
            pltpu.SemaphoreType.DMA,
            pltpu.SemaphoreType.DMA,
            pltpu.SemaphoreType.DMA,
            pltpu.SemaphoreType.DMA,
            pltpu.SemaphoreType.DMA,
            pltpu.SemaphoreType.DMA,
            pltpu.SemaphoreType.DMA,
            pltpu.SemaphoreType.DMA,
            pltpu.SemaphoreType.DMA,
            pltpu.SemaphoreType.DMA,
            pltpu.SemaphoreType.DMA,
            pltpu.SemaphoreType.DMA,
            pltpu.SemaphoreType.DMA,
            pltpu.SemaphoreType.DMA,
            pltpu.SemaphoreType.DMA,
        ],
        compiler_params=pltpu.CompilerParams(use_tc_tiling_on_sc=False),
    )
    def emb(idx_hbm, tok_hbm, pos_hbm, out_hbm,
            idx_all, rows0, rows1, rows2, rows3, rows4, rows5, rows6, rows7,
            pos_sh, g0, g1, g2, g3, g4, g5, g6, g7,
            o0, o1, o2, o3, o4, o5, o6, o7):
        cid = lax.axis_index("c")
        sid = lax.axis_index("s")
        wid = sid * _NC + cid
        base = wid * rows_per_w
        rows = (rows0, rows1, rows2, rows3, rows4, rows5, rows6, rows7)
        gsem = (g0, g1, g2, g3, g4, g5, g6, g7)
        osem = (o0, o1, o2, o3, o4, o5, o6, o7)

        @pl.when(sid == 0)
        def _():
            pltpu.sync_copy(pos_hbm, pos_sh)

        plsc.subcore_barrier()

        pltpu.sync_copy(idx_hbm.at[pl.ds(wid * n_ch, n_ch)], idx_all)

        def prefill_and_gather(c, b):
            o_c = lax.rem(c * _CH, N)
            pltpu.sync_copy(pos_sh.at[pl.ds(o_c, _CH)], rows[b])
            pltpu.async_copy(tok_hbm.at[idx_all.at[c]], rows[b], gsem[b],
                             add=True)

        def wait_gather(c, b):
            pltpu.make_async_copy(tok_hbm.at[idx_all.at[c]], rows[b],
                                  gsem[b]).wait()

        def issue_writeout(c, b):
            pltpu.async_copy(rows[b], out_hbm.at[pl.ds(base + c * _CH, _CH)],
                             osem[b])

        def wait_writeout(b):
            pltpu.make_async_copy(rows[b], out_hbm.at[pl.ds(base, _CH)],
                                  osem[b]).wait()

        for c0 in range(_NB - 1):
            prefill_and_gather(c0, c0)

        def ring_body(j, carry):
            for b in range(_NB):
                c = _NB * j + b
                wait_gather(c, b)
                issue_writeout(c, b)
                nb = (b + _NB - 1) % _NB

                @pl.when(c + _NB - 1 < n_ch)
                def _():
                    @pl.when(c >= 1)
                    def _():
                        wait_writeout(nb)
                    prefill_and_gather(c + _NB - 1, nb)

            return carry

        lax.fori_loop(0, n_rounds, ring_body, 0)
        for b in range(_NB):
            wait_writeout(b)

    return emb


def kernel(indices, tok_emb_table, pos_emb_table):
    B, N = indices.shape
    V, D = tok_emb_table.shape
    BN = B * N
    idx2d = indices.reshape(BN // _CH, _CH).astype(jnp.int32)
    pos = pos_emb_table[:N].astype(jnp.float32)
    pos_ext = jnp.concatenate([pos, pos[:_CH]], axis=0)
    out = _build(BN, V, D, N)(idx2d, tok_emb_table, pos_ext)
    return out.reshape(B, N, D)

# --- scband reference (transcript-rebuilt; emitter-appended) ---
"""Pipeline reference for scband-text-embeddings-66056597012778 (READ-ONLY COPY).

The authoritative reference and input builder live on the scoring server;
editing this copy changes nothing except your own understanding.
"""

import jax, jax.numpy as jnp
import numpy as np

D = 64
NMAX = 200
LEN_VOCAB = 1000000
B = 4096
N = 200

def setup_inputs(seed: int = 0) -> dict:
    key = jax.random.key(seed)
    k1, k2, k3 = jax.random.split(key, 3)
    indices = jax.random.randint(k1, (B, N), 0, LEN_VOCAB, dtype=jnp.int64) if jax.config.jax_enable_x64 else jax.random.randint(k1, (B, N), 0, LEN_VOCAB, dtype=jnp.int32)
    tok_emb_table = jax.random.normal(k2, (LEN_VOCAB, D), dtype=jnp.float32) * 0.02
    pos_emb_table = jax.random.normal(k3, (NMAX, D), dtype=jnp.float32) * 0.02
    return {"indices": indices, "tok_emb_table": tok_emb_table, "pos_emb_table": pos_emb_table}

def reference(indices, tok_emb_table, pos_emb_table):
    # tok_embeds: gather rows from token embedding table
    tok_embeds = jnp.take(tok_emb_table, indices, axis=0)  # [B, N, D]
    # pos_embeds: gather first N rows of positional table
    pos_ids = jnp.arange(indices.shape[1])
    pos_embeds = jnp.take(pos_emb_table, pos_ids, axis=0)  # [N, D]
    x = tok_embeds + pos_embeds[None, :, :]
    # dropout with p=0.0 is identity (module uses dpo=0.0)
    return x

if __name__ == "__main__":
    import jax
    _d = setup_inputs()
    print(jax.jit(kernel)(*tuple(_d.values())))

</pallas_src>

<mosaic_0001>
#map = affine_map<(d0, d1) -> (0, 0)>
module attributes {stable_mosaic.version = 14 : i64} {
  func.func @emb(%arg0: i32, %arg1: i32, %arg2: memref<6400x128xi32, #tpu.memory_space<hbm>>, %arg3: memref<1000000x64xf32, #tpu.memory_space<hbm>>, %arg4: memref<328x64xf32, #tpu.memory_space<hbm>>, %arg5: memref<819200x64xf32, #tpu.memory_space<hbm>>, %arg6: memref<200x128xi32, #tpu.memory_space<vmem>>, %arg7: memref<128x64xf32, #tpu.memory_space<vmem>>, %arg8: memref<128x64xf32, #tpu.memory_space<vmem>>, %arg9: memref<128x64xf32, #tpu.memory_space<vmem>>, %arg10: memref<128x64xf32, #tpu.memory_space<vmem>>, %arg11: memref<128x64xf32, #tpu.memory_space<vmem>>, %arg12: memref<128x64xf32, #tpu.memory_space<vmem>>, %arg13: memref<128x64xf32, #tpu.memory_space<vmem>>, %arg14: memref<128x64xf32, #tpu.memory_space<vmem>>, %arg15: memref<328x64xf32, #tpu.memory_space<vmem_shared>>, %arg16: memref<!tpu.dma_semaphore, #tpu.memory_space<semaphore_mem>>, %arg17: memref<!tpu.dma_semaphore, #tpu.memory_space<semaphore_mem>>, %arg18: memref<!tpu.dma_semaphore, #tpu.memory_space<semaphore_mem>>, %arg19: memref<!tpu.dma_semaphore, #tpu.memory_space<semaphore_mem>>, %arg20: memref<!tpu.dma_semaphore, #tpu.memory_space<semaphore_mem>>, %arg21: memref<!tpu.dma_semaphore, #tpu.memory_space<semaphore_mem>>, %arg22: memref<!tpu.dma_semaphore, #tpu.memory_space<semaphore_mem>>, %arg23: memref<!tpu.dma_semaphore, #tpu.memory_space<semaphore_mem>>, %arg24: memref<!tpu.dma_semaphore, #tpu.memory_space<semaphore_mem>>, %arg25: memref<!tpu.dma_semaphore, #tpu.memory_space<semaphore_mem>>, %arg26: memref<!tpu.dma_semaphore, #tpu.memory_space<semaphore_mem>>, %arg27: memref<!tpu.dma_semaphore, #tpu.memory_space<semaphore_mem>>, %arg28: memref<!tpu.dma_semaphore, #tpu.memory_space<semaphore_mem>>, %arg29: memref<!tpu.dma_semaphore, #tpu.memory_space<semaphore_mem>>, %arg30: memref<!tpu.dma_semaphore, #tpu.memory_space<semaphore_mem>>, %arg31: memref<!tpu.dma_semaphore, #tpu.memory_space<semaphore_mem>>) attributes {dimension_semantics = [#tpu.dimension_semantics<core_parallel>, #tpu.dimension_semantics<subcore_parallel>], iteration_bounds = array<i64: 2, 16>, scalar_prefetch = 0 : i64, scratch_operands = 26 : i64, tpu.core_type = #tpu.core_type<sc_vector_subcore>, window_params = [{transform_indices = #map}, {transform_indices = #map}, {transform_indices = #map}, {transform_indices = #map}]} {
    %mul3A = arith.constant 2 : i32
    %mul3A_0 = arith.muli %arg1, %mul3A : i32
    %add3A = arith.addi %mul3A_0, %arg0 : i32
    %mul3A_1 = arith.constant 25600 : i32
    %mul3A_2 = arith.muli %add3A, %mul3A_1 : i32
    %eq3A = arith.constant 0 : i32
    %eq3A_3 = arith.cmpi eq, %arg1, %eq3A : i32
    %convert_element_type3A = arith.extui %eq3A_3 : i1 to i32
    %cond3A = arith.constant 0 : i32
    %cond3A_4 = arith.cmpi ne, %convert_element_type3A, %cond3A : i32
    scf.if %cond3A_4 {
      "tpu.region"() ({
        %run_scoped3A = tpu.sem_alloc : memref<!tpu.dma_semaphore, #tpu.memory_space<semaphore_mem>>
        tpu.enqueue_dma source(%arg4 : memref<328x64xf32, #tpu.memory_space<hbm>>) target(%arg15 : memref<328x64xf32, #tpu.memory_space<vmem_shared>>) target_semaphore(%run_scoped3A : memref<!tpu.dma_semaphore, #tpu.memory_space<semaphore_mem>>)
        tpu.wait_dma2 semaphore(%run_scoped3A : memref<!tpu.dma_semaphore, #tpu.memory_space<semaphore_mem>>) src(%arg4 : memref<328x64xf32, #tpu.memory_space<hbm>>) dst(%arg15 : memref<328x64xf32, #tpu.memory_space<vmem_shared>>)
        tpu.yield
      }) : () -> ()
    } else {
    }
    %barrier3A = arith.constant 0 : index
    tpu.barrier barrier_id(%barrier3A)
    %mul3A_5 = arith.constant 200 : i32
    %mul3A_6 = arith.muli %add3A, %mul3A_5 : i32
    "tpu.region"() ({
      %run_scoped3A = tpu.sem_alloc : memref<!tpu.dma_semaphore, #tpu.memory_space<semaphore_mem>>
      %dma_start3A_111 = arith.constant 0 : i32
      %dma_start3A_112 = tpu.memref_slice %arg2[%mul3A_6, %dma_start3A_111] : memref<6400x128xi32, #tpu.memory_space<hbm>> -> memref<200x128xi32, #tpu.memory_space<hbm>>
      %dma_start3A_113 = arith.constant 0 : i32
      %dma_start3A_114 = tpu.memref_slice %arg2[%mul3A_6, %dma_start3A_113] : memref<6400x128xi32, #tpu.memory_space<hbm>> -> memref<200x128xi32, #tpu.memory_space<hbm>>
      tpu.enqueue_dma source(%dma_start3A_114 : memref<200x128xi32, #tpu.memory_space<hbm>>) target(%arg6 : memref<200x128xi32, #tpu.memory_space<vmem>>) target_semaphore(%run_scoped3A : memref<!tpu.dma_semaphore, #tpu.memory_space<semaphore_mem>>)
      %dma_wait3A_115 = arith.constant 0 : i32
      %dma_wait3A_116 = tpu.memref_slice %arg2[%mul3A_6, %dma_wait3A_115] : memref<6400x128xi32, #tpu.memory_space<hbm>> -> memref<200x128xi32, #tpu.memory_space<hbm>>
      %dma_wait3A_117 = arith.constant 0 : i32
      %dma_wait3A_118 = tpu.memref_slice %arg2[%mul3A_6, %dma_wait3A_117] : memref<6400x128xi32, #tpu.memory_space<hbm>> -> memref<200x128xi32, #tpu.memory_space<hbm>>
      tpu.wait_dma2 semaphore(%run_scoped3A : memref<!tpu.dma_semaphore, #tpu.memory_space<semaphore_mem>>) src(%dma_wait3A_118 : memref<200x128xi32, #tpu.memory_space<hbm>>) dst(%arg6 : memref<200x128xi32, #tpu.memory_space<vmem>>)
      tpu.yield
    }) : () -> ()
    %rem3A = arith.constant 0 : i32
    %rem3A_7 = arith.constant 200 : i32
    %rem3A_8 = arith.remsi %rem3A, %rem3A_7 : i32
    "tpu.region"() ({
      %run_scoped3A = tpu.sem_alloc : memref<!tpu.dma_semaphore, #tpu.memory_space<semaphore_mem>>
      %dma_start3A_111 = arith.constant 0 : i32
      %dma_start3A_112 = tpu.memref_slice %arg15[%rem3A_8, %dma_start3A_111] : memref<328x64xf32, #tpu.memory_space<vmem_shared>> -> memref<128x64xf32, #tpu.memory_space<vmem_shared>>
      %dma_start3A_113 = arith.constant 0 : i32
      %dma_start3A_114 = tpu.memref_slice %arg15[%rem3A_8, %dma_start3A_113] : memref<328x64xf32, #tpu.memory_space<vmem_shared>> -> memref<128x64xf32, #tpu.memory_space<vmem_shared>>
      tpu.enqueue_dma source(%dma_start3A_114 : memref<128x64xf32, #tpu.memory_space<vmem_shared>>) target(%arg7 : memref<128x64xf32, #tpu.memory_space<vmem>>) target_semaphore(%run_scoped3A : memref<!tpu.dma_semaphore, #tpu.memory_space<semaphore_mem>>)
      %dma_wait3A_115 = arith.constant 0 : i32
      %dma_wait3A_116 = tpu.memref_slice %arg15[%rem3A_8, %dma_wait3A_115] : memref<328x64xf32, #tpu.memory_space<vmem_shared>> -> memref<128x64xf32, #tpu.memory_space<vmem_shared>>
      %dma_wait3A_117 = arith.constant 0 : i32
      %dma_wait3A_118 = tpu.memref_slice %arg15[%rem3A_8, %dma_wait3A_117] : memref<328x64xf32, #tpu.memory_space<vmem_shared>> -> memref<128x64xf32, #tpu.memory_space<vmem_shared>>
      tpu.wait_dma2 semaphore(%run_scoped3A : memref<!tpu.dma_semaphore, #tpu.memory_space<semaphore_mem>>) src(%dma_wait3A_118 : memref<128x64xf32, #tpu.memory_space<vmem_shared>>) dst(%arg7 : memref<128x64xf32, #tpu.memory_space<vmem>>)
      tpu.yield
    }) : () -> ()
    %dma_start3A = arith.constant 0 : i32
    %dma_start3A_9 = arith.constant 0 : i32
    %dma_start3A_10 = tpu.memref_slice %arg6[%dma_start3A, %dma_start3A_9] : memref<200x128xi32, #tpu.memory_space<vmem>> -> memref<1x128xi32, #tpu.memory_space<vmem>>
    %dma_start3A_11 = tpu.memref_squeeze %dma_start3A_10 : memref<1x128xi32, #tpu.memory_space<vmem>> -> memref<128xi32, #tpu.memory_space<vmem>>
    %dma_start3A_12 = arith.constant 0 : i32
    %dma_start3A_13 = arith.constant 0 : i32
    %dma_start3A_14 = tpu.memref_slice %arg3[%dma_start3A_12, %dma_start3A_13] : memref<1000000x64xf32, #tpu.memory_space<hbm>> -> memref<1000000x64xf32, #tpu.memory_space<hbm>>
    tpu.enqueue_indirect_dma source(%dma_start3A_14 : memref<1000000x64xf32, #tpu.memory_space<hbm>>) target(%arg7 : memref<128x64xf32, #tpu.memory_space<vmem>>) offsets(%dma_start3A_11 : memref<128xi32, #tpu.memory_space<vmem>>) semaphore(%arg16 : memref<!tpu.dma_semaphore, #tpu.memory_space<semaphore_mem>>) {add = true}
    %rem3A_15 = arith.constant 128 : i32
    %rem3A_16 = arith.constant 200 : i32
    %rem3A_17 = arith.remsi %rem3A_15, %rem3A_16 : i32
    "tpu.region"() ({
      %run_scoped3A = tpu.sem_alloc : memref<!tpu.dma_semaphore, #tpu.memory_space<semaphore_mem>>
      %dma_start3A_111 = arith.constant 0 : i32
      %dma_start3A_112 = tpu.memref_slice %arg15[%rem3A_17, %dma_start3A_111] : memref<328x64xf32, #tpu.memory_space<vmem_shared>> -> memref<128x64xf32, #tpu.memory_space<vmem_shared>>
      %dma_start3A_113 = arith.constant 0 : i32
      %dma_start3A_114 = tpu.memref_slice %arg15[%rem3A_17, %dma_start3A_113] : memref<328x64xf32, #tpu.memory_space<vmem_shared>> -> memref<128x64xf32, #tpu.memory_space<vmem_shared>>
      tpu.enqueue_dma source(%dma_start3A_114 : memref<128x64xf32, #tpu.memory_space<vmem_shared>>) target(%arg8 : memref<128x64xf32, #tpu.memory_space<vmem>>) target_semaphore(%run_scoped3A : memref<!tpu.dma_semaphore, #tpu.memory_space<semaphore_mem>>)
      %dma_wait3A_115 = arith.constant 0 : i32
      %dma_wait3A_116 = tpu.memref_slice %arg15[%rem3A_17, %dma_wait3A_115] : memref<328x64xf32, #tpu.memory_space<vmem_shared>> -> memref<128x64xf32, #tpu.memory_space<vmem_shared>>
      %dma_wait3A_117 = arith.constant 0 : i32
      %dma_wait3A_118 = tpu.memref_slice %arg15[%rem3A_17, %dma_wait3A_117] : memref<328x64xf32, #tpu.memory_space<vmem_shared>> -> memref<128x64xf32, #tpu.memory_space<vmem_shared>>
      tpu.wait_dma2 semaphore(%run_scoped3A : memref<!tpu.dma_semaphore, #tpu.memory_space<semaphore_mem>>) src(%dma_wait3A_118 : memref<128x64xf32, #tpu.memory_space<vmem_shared>>) dst(%arg8 : memref<128x64xf32, #tpu.memory_space<vmem>>)
      tpu.yield
    }) : () -> ()
    %dma_start3A_18 = arith.constant 1 : i32
    %dma_start3A_19 = arith.constant 0 : i32
    %dma_start3A_20 = tpu.memref_slice %arg6[%dma_start3A_18, %dma_start3A_19] : memref<200x128xi32, #tpu.memory_space<vmem>> -> memref<1x128xi32, #tpu.memory_space<vmem>>
    %dma_start3A_21 = tpu.memref_squeeze %dma_start3A_20 : memref<1x128xi32, #tpu.memory_space<vmem>> -> memref<128xi32, #tpu.memory_space<vmem>>
    %dma_start3A_22 = arith.constant 0 : i32
    %dma_start3A_23 = arith.constant 0 : i32
    %dma_start3A_24 = tpu.memref_slice %arg3[%dma_start3A_22, %dma_start3A_23] : memref<1000000x64xf32, #tpu.memory_space<hbm>> -> memref<1000000x64xf32, #tpu.memory_space<hbm>>
    tpu.enqueue_indirect_dma source(%dma_start3A_24 : memref<1000000x64xf32, #tpu.memory_space<hbm>>) target(%arg8 : memref<128x64xf32, #tpu.memory_space<vmem>>) offsets(%dma_start3A_21 : memref<128xi32, #tpu.memory_space<vmem>>) semaphore(%arg17 : memref<!tpu.dma_semaphore, #tpu.memory_space<semaphore_mem>>) {add = true}
    %rem3A_25 = arith.constant 256 : i32
    %rem3A_26 = arith.constant 200 : i32
    %rem3A_27 = arith.remsi %rem3A_25, %rem3A_26 : i32
    "tpu.region"() ({
      %run_scoped3A = tpu.sem_alloc : memref<!tpu.dma_semaphore, #tpu.memory_space<semaphore_mem>>
      %dma_start3A_111 = arith.constant 0 : i32
      %dma_start3A_112 = tpu.memref_slice %arg15[%rem3A_27, %dma_start3A_111] : memref<328x64xf32, #tpu.memory_space<vmem_shared>> -> memref<128x64xf32, #tpu.memory_space<vmem_shared>>
      %dma_start3A_113 = arith.constant 0 : i32
      %dma_start3A_114 = tpu.memref_slice %arg15[%rem3A_27, %dma_start3A_113] : memref<328x64xf32, #tpu.memory_space<vmem_shared>> -> memref<128x64xf32, #tpu.memory_space<vmem_shared>>
      tpu.enqueue_dma source(%dma_start3A_114 : memref<128x64xf32, #tpu.memory_space<vmem_shared>>) target(%arg9 : memref<128x64xf32, #tpu.memory_space<vmem>>) target_semaphore(%run_scoped3A : memref<!tpu.dma_semaphore, #tpu.memory_space<semaphore_mem>>)
      %dma_wait3A_115 = arith.constant 0 : i32
      %dma_wait3A_116 = tpu.memref_slice %arg15[%rem3A_27, %dma_wait3A_115] : memref<328x64xf32, #tpu.memory_space<vmem_shared>> -> memref<128x64xf32, #tpu.memory_space<vmem_shared>>
      %dma_wait3A_117 = arith.constant 0 : i32
      %dma_wait3A_118 = tpu.memref_slice %arg15[%rem3A_27, %dma_wait3A_117] : memref<328x64xf32, #tpu.memory_space<vmem_shared>> -> memref<128x64xf32, #tpu.memory_space<vmem_shared>>
      tpu.wait_dma2 semaphore(%run_scoped3A : memref<!tpu.dma_semaphore, #tpu.memory_space<semaphore_mem>>) src(%dma_wait3A_118 : memref<128x64xf32, #tpu.memory_space<vmem_shared>>) dst(%arg9 : memref<128x64xf32, #tpu.memory_space<vmem>>)
      tpu.yield
    }) : () -> ()
    %dma_start3A_28 = arith.constant 2 : i32
    %dma_start3A_29 = arith.constant 0 : i32
    %dma_start3A_30 = tpu.memref_slice %arg6[%dma_start3A_28, %dma_start3A_29] : memref<200x128xi32, #tpu.memory_space<vmem>> -> memref<1x128xi32, #tpu.memory_space<vmem>>
    %dma_start3A_31 = tpu.memref_squeeze %dma_start3A_30 : memref<1x128xi32, #tpu.memory_space<vmem>> -> memref<128xi32, #tpu.memory_space<vmem>>
    %dma_start3A_32 = arith.constant 0 : i32
    %dma_start3A_33 = arith.constant 0 : i32
    %dma_start3A_34 = tpu.memref_slice %arg3[%dma_start3A_32, %dma_start3A_33] : memref<1000000x64xf32, #tpu.memory_space<hbm>> -> memref<1000000x64xf32, #tpu.memory_space<hbm>>
    tpu.enqueue_indirect_dma source(%dma_start3A_34 : memref<1000000x64xf32, #tpu.memory_space<hbm>>) target(%arg9 : memref<128x64xf32, #tpu.memory_space<vmem>>) offsets(%dma_start3A_31 : memref<128xi32, #tpu.memory_space<vmem>>) semaphore(%arg18 : memref<!tpu.dma_semaphore, #tpu.memory_space<semaphore_mem>>) {add = true}
    %rem3A_35 = arith.constant 384 : i32
    %rem3A_36 = arith.constant 200 : i32
    %rem3A_37 = arith.remsi %rem3A_35, %rem3A_36 : i32
    "tpu.region"() ({
      %run_scoped3A = tpu.sem_alloc : memref<!tpu.dma_semaphore, #tpu.memory_space<semaphore_mem>>
      %dma_start3A_111 = arith.constant 0 : i32
      %dma_start3A_112 = tpu.memref_slice %arg15[%rem3A_37, %dma_start3A_111] : memref<328x64xf32, #tpu.memory_space<vmem_shared>> -> memref<128x64xf32, #tpu.memory_space<vmem_shared>>
      %dma_start3A_113 = arith.constant 0 : i32
      %dma_start3A_114 = tpu.memref_slice %arg15[%rem3A_37, %dma_start3A_113] : memref<328x64xf32, #tpu.memory_space<vmem_shared>> -> memref<128x64xf32, #tpu.memory_space<vmem_shared>>
      tpu.enqueue_dma source(%dma_start3A_114 : memref<128x64xf32, #tpu.memory_space<vmem_shared>>) target(%arg10 : memref<128x64xf32, #tpu.memory_space<vmem>>) target_semaphore(%run_scoped3A : memref<!tpu.dma_semaphore, #tpu.memory_space<semaphore_mem>>)
      %dma_wait3A_115 = arith.constant 0 : i32
      %dma_wait3A_116 = tpu.memref_slice %arg15[%rem3A_37, %dma_wait3A_115] : memref<328x64xf32, #tpu.memory_space<vmem_shared>> -> memref<128x64xf32, #tpu.memory_space<vmem_shared>>
      %dma_wait3A_117 = arith.constant 0 : i32
      %dma_wait3A_118 = tpu.memref_slice %arg15[%rem3A_37, %dma_wait3A_117] : memref<328x64xf32, #tpu.memory_space<vmem_shared>> -> memref<128x64xf32, #tpu.memory_space<vmem_shared>>
      tpu.wait_dma2 semaphore(%run_scoped3A : memref<!tpu.dma_semaphore, #tpu.memory_space<semaphore_mem>>) src(%dma_wait3A_118 : memref<128x64xf32, #tpu.memory_space<vmem_shared>>) dst(%arg10 : memref<128x64xf32, #tpu.memory_space<vmem>>)
      tpu.yield
    }) : () -> ()
    %dma_start3A_38 = arith.constant 3 : i32
    %dma_start3A_39 = arith.constant 0 : i32
    %dma_start3A_40 = tpu.memref_slice %arg6[%dma_start3A_38, %dma_start3A_39] : memref<200x128xi32, #tpu.memory_space<vmem>> -> memref<1x128xi32, #tpu.memory_space<vmem>>
    %dma_start3A_41 = tpu.memref_squeeze %dma_start3A_40 : memref<1x128xi32, #tpu.memory_space<vmem>> -> memref<128xi32, #tpu.memory_space<vmem>>
    %dma_start3A_42 = arith.constant 0 : i32
    %dma_start3A_43 = arith.constant 0 : i32
    %dma_start3A_44 = tpu.memref_slice %arg3[%dma_start3A_42, %dma_start3A_43] : memref<1000000x64xf32, #tpu.memory_space<hbm>> -> memref<1000000x64xf32, #tpu.memory_space<hbm>>
    tpu.enqueue_indirect_dma source(%dma_start3A_44 : memref<1000000x64xf32, #tpu.memory_space<hbm>>) target(%arg10 : memref<128x64xf32, #tpu.memory_space<vmem>>) offsets(%dma_start3A_41 : memref<128xi32, #tpu.memory_space<vmem>>) semaphore(%arg19 : memref<!tpu.dma_semaphore, #tpu.memory_space<semaphore_mem>>) {add = true}
    %rem3A_45 = arith.constant 512 : i32
    %rem3A_46 = arith.constant 200 : i32
    %rem3A_47 = arith.remsi %rem3A_45, %rem3A_46 : i32
    "tpu.region"() ({
      %run_scoped3A = tpu.sem_alloc : memref<!tpu.dma_semaphore, #tpu.memory_space<semaphore_mem>>
      %dma_start3A_111 = arith.constant 0 : i32
      %dma_start3A_112 = tpu.memref_slice %arg15[%rem3A_47, %dma_start3A_111] : memref<328x64xf32, #tpu.memory_space<vmem_shared>> -> memref<128x64xf32, #tpu.memory_space<vmem_shared>>
      %dma_start3A_113 = arith.constant 0 : i32
      %dma_start3A_114 = tpu.memref_slice %arg15[%rem3A_47, %dma_start3A_113] : memref<328x64xf32, #tpu.memory_space<vmem_shared>> -> memref<128x64xf32, #tpu.memory_space<vmem_shared>>
      tpu.enqueue_dma source(%dma_start3A_114 : memref<128x64xf32, #tpu.memory_space<vmem_shared>>) target(%arg11 : memref<128x64xf32, #tpu.memory_space<vmem>>) target_semaphore(%run_scoped3A : memref<!tpu.dma_semaphore, #tpu.memory_space<semaphore_mem>>)
      %dma_wait3A_115 = arith.constant 0 : i32
      %dma_wait3A_116 = tpu.memref_slice %arg15[%rem3A_47, %dma_wait3A_115] : memref<328x64xf32, #tpu.memory_space<vmem_shared>> -> memref<128x64xf32, #tpu.memory_space<vmem_shared>>
      %dma_wait3A_117 = arith.constant 0 : i32
      %dma_wait3A_118 = tpu.memref_slice %arg15[%rem3A_47, %dma_wait3A_117] : memref<328x64xf32, #tpu.memory_space<vmem_shared>> -> memref<128x64xf32, #tpu.memory_space<vmem_shared>>
      tpu.wait_dma2 semaphore(%run_scoped3A : memref<!tpu.dma_semaphore, #tpu.memory_space<semaphore_mem>>) src(%dma_wait3A_118 : memref<128x64xf32, #tpu.memory_space<vmem_shared>>) dst(%arg11 : memref<128x64xf32, #tpu.memory_space<vmem>>)
      tpu.yield
    }) : () -> ()
    %dma_start3A_48 = arith.constant 4 : i32
    %dma_start3A_49 = arith.constant 0 : i32
    %dma_start3A_50 = tpu.memref_slice %arg6[%dma_start3A_48, %dma_start3A_49] : memref<200x128xi32, #tpu.memory_space<vmem>> -> memref<1x128xi32, #tpu.memory_space<vmem>>
    %dma_start3A_51 = tpu.memref_squeeze %dma_start3A_50 : memref<1x128xi32, #tpu.memory_space<vmem>> -> memref<128xi32, #tpu.memory_space<vmem>>
    %dma_start3A_52 = arith.constant 0 : i32
    %dma_start3A_53 = arith.constant 0 : i32
    %dma_start3A_54 = tpu.memref_slice %arg3[%dma_start3A_52, %dma_start3A_53] : memref<1000000x64xf32, #tpu.memory_space<hbm>> -> memref<1000000x64xf32, #tpu.memory_space<hbm>>
    tpu.enqueue_indirect_dma source(%dma_start3A_54 : memref<1000000x64xf32, #tpu.memory_space<hbm>>) target(%arg11 : memref<128x64xf32, #tpu.memory_space<vmem>>) offsets(%dma_start3A_51 : memref<128xi32, #tpu.memory_space<vmem>>) semaphore(%arg20 : memref<!tpu.dma_semaphore, #tpu.memory_space<semaphore_mem>>) {add = true}
    %rem3A_55 = arith.constant 640 : i32
    %rem3A_56 = arith.constant 200 : i32
    %rem3A_57 = arith.remsi %rem3A_55, %rem3A_56 : i32
    "tpu.region"() ({
      %run_scoped3A = tpu.sem_alloc : memref<!tpu.dma_semaphore, #tpu.memory_space<semaphore_mem>>
      %dma_start3A_111 = arith.constant 0 : i32
      %dma_start3A_112 = tpu.memref_slice %arg15[%rem3A_57, %dma_start3A_111] : memref<328x64xf32, #tpu.memory_space<vmem_shared>> -> memref<128x64xf32, #tpu.memory_space<vmem_shared>>
      %dma_start3A_113 = arith.constant 0 : i32
      %dma_start3A_114 = tpu.memref_slice %arg15[%rem3A_57, %dma_start3A_113] : memref<328x64xf32, #tpu.memory_space<vmem_shared>> -> memref<128x64xf32, #tpu.memory_space<vmem_shared>>
      tpu.enqueue_dma source(%dma_start3A_114 : memref<128x64xf32, #tpu.memory_space<vmem_shared>>) target(%arg12 : memref<128x64xf32, #tpu.memory_space<vmem>>) target_semaphore(%run_scoped3A : memref<!tpu.dma_semaphore, #tpu.memory_space<semaphore_mem>>)
      %dma_wait3A_115 = arith.constant 0 : i32
      %dma_wait3A_116 = tpu.memref_slice %arg15[%rem3A_57, %dma_wait3A_115] : memref<328x64xf32, #tpu.memory_space<vmem_shared>> -> memref<128x64xf32, #tpu.memory_space<vmem_shared>>
      %dma_wait3A_117 = arith.constant 0 : i32
      %dma_wait3A_118 = tpu.memref_slice %arg15[%rem3A_57, %dma_wait3A_117] : memref<328x64xf32, #tpu.memory_space<vmem_shared>> -> memref<128x64xf32, #tpu.memory_space<vmem_shared>>
      tpu.wait_dma2 semaphore(%run_scoped3A : memref<!tpu.dma_semaphore, #tpu.memory_space<semaphore_mem>>) src(%dma_wait3A_118 : memref<128x64xf32, #tpu.memory_space<vmem_shared>>) dst(%arg12 : memref<128x64xf32, #tpu.memory_space<vmem>>)
      tpu.yield
    }) : () -> ()
    %dma_start3A_58 = arith.constant 5 : i32
    %dma_start3A_59 = arith.constant 0 : i32
    %dma_start3A_60 = tpu.memref_slice %arg6[%dma_start3A_58, %dma_start3A_59] : memref<200x128xi32, #tpu.memory_space<vmem>> -> memref<1x128xi32, #tpu.memory_space<vmem>>
    %dma_start3A_61 = tpu.memref_squeeze %dma_start3A_60 : memref<1x128xi32, #tpu.memory_space<vmem>> -> memref<128xi32, #tpu.memory_space<vmem>>
    %dma_start3A_62 = arith.constant 0 : i32
    %dma_start3A_63 = arith.constant 0 : i32
    %dma_start3A_64 = tpu.memref_slice %arg3[%dma_start3A_62, %dma_start3A_63] : memref<1000000x64xf32, #tpu.memory_space<hbm>> -> memref<1000000x64xf32, #tpu.memory_space<hbm>>
    tpu.enqueue_indirect_dma source(%dma_start3A_64 : memref<1000000x64xf32, #tpu.memory_space<hbm>>) target(%arg12 : memref<128x64xf32, #tpu.memory_space<vmem>>) offsets(%dma_start3A_61 : memref<128xi32, #tpu.memory_space<vmem>>) semaphore(%arg21 : memref<!tpu.dma_semaphore, #tpu.memory_space<semaphore_mem>>) {add = true}
    %rem3A_65 = arith.constant 768 : i32
    %rem3A_66 = arith.constant 200 : i32
    %rem3A_67 = arith.remsi %rem3A_65, %rem3A_66 : i32
    "tpu.region"() ({
      %run_scoped3A = tpu.sem_alloc : memref<!tpu.dma_semaphore, #tpu.memory_space<semaphore_mem>>
      %dma_start3A_111 = arith.constant 0 : i32
      %dma_start3A_112 = tpu.memref_slice %arg15[%rem3A_67, %dma_start3A_111] : memref<328x64xf32, #tpu.memory_space<vmem_shared>> -> memref<128x64xf32, #tpu.memory_space<vmem_shared>>
      %dma_start3A_113 = arith.constant 0 : i32
      %dma_start3A_114 = tpu.memref_slice %arg15[%rem3A_67, %dma_start3A_113] : memref<328x64xf32, #tpu.memory_space<vmem_shared>> -> memref<128x64xf32, #tpu.memory_space<vmem_shared>>
      tpu.enqueue_dma source(%dma_start3A_114 : memref<128x64xf32, #tpu.memory_space<vmem_shared>>) target(%arg13 : memref<128x64xf32, #tpu.memory_space<vmem>>) target_semaphore(%run_scoped3A : memref<!tpu.dma_semaphore, #tpu.memory_space<semaphore_mem>>)
      %dma_wait3A_115 = arith.constant 0 : i32
      %dma_wait3A_116 = tpu.memref_slice %arg15[%rem3A_67, %dma_wait3A_115] : memref<328x64xf32, #tpu.memory_space<vmem_shared>> -> memref<128x64xf32, #tpu.memory_space<vmem_shared>>
      %dma_wait3A_117 = arith.constant 0 : i32
      %dma_wait3A_118 = tpu.memref_slice %arg15[%rem3A_67, %dma_wait3A_117] : memref<328x64xf32, #tpu.memory_space<vmem_shared>> -> memref<128x64xf32, #tpu.memory_space<vmem_shared>>
      tpu.wait_dma2 semaphore(%run_scoped3A : memref<!tpu.dma_semaphore, #tpu.memory_space<semaphore_mem>>) src(%dma_wait3A_118 : memref<128x64xf32, #tpu.memory_space<vmem_shared>>) dst(%arg13 : memref<128x64xf32, #tpu.memory_space<vmem>>)
      tpu.yield
    }) : () -> ()
    %dma_start3A_68 = arith.constant 6 : i32
    %dma_start3A_69 = arith.constant 0 : i32
    %dma_start3A_70 = tpu.memref_slice %arg6[%dma_start3A_68, %dma_start3A_69] : memref<200x128xi32, #tpu.memory_space<vmem>> -> memref<1x128xi32, #tpu.memory_space<vmem>>
    %dma_start3A_71 = tpu.memref_squeeze %dma_start3A_70 : memref<1x128xi32, #tpu.memory_space<vmem>> -> memref<128xi32, #tpu.memory_space<vmem>>
    %dma_start3A_72 = arith.constant 0 : i32
    %dma_start3A_73 = arith.constant 0 : i32
    %dma_start3A_74 = tpu.memref_slice %arg3[%dma_start3A_72, %dma_start3A_73] : memref<1000000x64xf32, #tpu.memory_space<hbm>> -> memref<1000000x64xf32, #tpu.memory_space<hbm>>
    tpu.enqueue_indirect_dma source(%dma_start3A_74 : memref<1000000x64xf32, #tpu.memory_space<hbm>>) target(%arg13 : memref<128x64xf32, #tpu.memory_space<vmem>>) offsets(%dma_start3A_71 : memref<128xi32, #tpu.memory_space<vmem>>) semaphore(%arg22 : memref<!tpu.dma_semaphore, #tpu.memory_space<semaphore_mem>>) {add = true}
    %scan3A = arith.constant 0 : i32
    %scan3A_75 = arith.constant 0 : i32
    %scan3A_76 = arith.constant 25 : i32
    %scan3A_77 = arith.addi %scan3A_75, %scan3A_76 : i32
    %scan3A_78 = arith.constant 1 : i32
    scf.for %scan3A_111 = %scan3A_75 to %scan3A_77 step %scan3A_78  : i32 {
      %mul3A_112 = arith.constant 8 : i32
      %mul3A_113 = arith.muli %mul3A_112, %scan3A_111 : i32
      %add3A_114 = arith.constant 0 : i32
      %add3A_115 = arith.addi %mul3A_113, %add3A_114 : i32
      %dma_wait3A_116 = arith.constant 0 : i32
      %dma_wait3A_117 = tpu.memref_slice %arg6[%add3A_115, %dma_wait3A_116] : memref<200x128xi32, #tpu.memory_space<vmem>> -> memref<1x128xi32, #tpu.memory_space<vmem>>
      %dma_wait3A_118 = tpu.memref_squeeze %dma_wait3A_117 : memref<1x128xi32, #tpu.memory_space<vmem>> -> memref<128xi32, #tpu.memory_space<vmem>>
      %dma_wait3A_119 = arith.constant 0 : i32
      %dma_wait3A_120 = arith.constant 0 : i32
      %dma_wait3A_121 = tpu.memref_slice %arg3[%dma_wait3A_119, %dma_wait3A_120] : memref<1000000x64xf32, #tpu.memory_space<hbm>> -> memref<1000000x64xf32, #tpu.memory_space<hbm>>
      tpu.wait_indirect_dma semaphore(%arg16 : memref<!tpu.dma_semaphore, #tpu.memory_space<semaphore_mem>>) src(%dma_wait3A_121 : memref<1000000x64xf32, #tpu.memory_space<hbm>>) dst(%arg7 : memref<128x64xf32, #tpu.memory_space<vmem>>)
      %mul3A_122 = arith.constant 128 : i32
      %mul3A_123 = arith.muli %add3A_115, %mul3A_122 : i32
      %add3A_124 = arith.addi %mul3A_2, %mul3A_123 : i32
      %dma_start3A_125 = arith.constant 0 : i32
      %dma_start3A_126 = tpu.memref_slice %arg5[%add3A_124, %dma_start3A_125] : memref<819200x64xf32, #tpu.memory_space<hbm>> -> memref<128x64xf32, #tpu.memory_space<hbm>>
      %dma_start3A_127 = arith.constant 0 : i32
      %dma_start3A_128 = tpu.memref_slice %arg5[%add3A_124, %dma_start3A_127] : memref<819200x64xf32, #tpu.memory_space<hbm>> -> memref<128x64xf32, #tpu.memory_space<hbm>>
      tpu.enqueue_dma source(%arg7 : memref<128x64xf32, #tpu.memory_space<vmem>>) target(%dma_start3A_128 : memref<128x64xf32, #tpu.memory_space<hbm>>) target_semaphore(%arg24 : memref<!tpu.dma_semaphore, #tpu.memory_space<semaphore_mem>>)
      %add3A_129 = arith.constant 8 : i32
      %add3A_130 = arith.addi %add3A_115, %add3A_129 : i32
      %sub3A = arith.constant 1 : i32
      %sub3A_131 = arith.subi %add3A_130, %sub3A : i32
      %lt3A = arith.constant 200 : i32
      %lt3A_132 = arith.cmpi slt, %sub3A_131, %lt3A : i32
      %convert_element_type3A_133 = arith.extui %lt3A_132 : i1 to i32
      %cond3A_134 = arith.constant 0 : i32
      %cond3A_135 = arith.cmpi ne, %convert_element_type3A_133, %cond3A_134 : i32
      scf.if %cond3A_135 {
        %ge3A = arith.constant 1 : i32
        %ge3A_318 = arith.cmpi sge, %add3A_115, %ge3A : i32
        %convert_element_type3A_319 = arith.extui %ge3A_318 : i1 to i32
        %cond3A_320 = arith.constant 0 : i32
        %cond3A_321 = arith.cmpi ne, %convert_element_type3A_319, %cond3A_320 : i32
        scf.if %cond3A_321 {
          %dma_wait3A_336 = arith.constant 0 : i32
          %dma_wait3A_337 = tpu.memref_slice %arg5[%mul3A_2, %dma_wait3A_336] : memref<819200x64xf32, #tpu.memory_space<hbm>> -> memref<128x64xf32, #tpu.memory_space<hbm>>
          %dma_wait3A_338 = arith.constant 0 : i32
          %dma_wait3A_339 = tpu.memref_slice %arg5[%mul3A_2, %dma_wait3A_338] : memref<819200x64xf32, #tpu.memory_space<hbm>> -> memref<128x64xf32, #tpu.memory_space<hbm>>
          tpu.wait_dma2 semaphore(%arg31 : memref<!tpu.dma_semaphore, #tpu.memory_space<semaphore_mem>>) src(%arg14 : memref<128x64xf32, #tpu.memory_space<vmem>>) dst(%dma_wait3A_339 : memref<128x64xf32, #tpu.memory_space<hbm>>)
        } else {
        }
        %add3A_322 = arith.constant 8 : i32
        %add3A_323 = arith.addi %add3A_115, %add3A_322 : i32
        %sub3A_324 = arith.constant 1 : i32
        %sub3A_325 = arith.subi %add3A_323, %sub3A_324 : i32
        %mul3A_326 = arith.constant 128 : i32
        %mul3A_327 = arith.muli %sub3A_325, %mul3A_326 : i32
        %rem3A_328 = arith.constant 200 : i32
        %rem3A_329 = arith.remsi %mul3A_327, %rem3A_328 : i32
        "tpu.region"() ({
          %run_scoped3A = tpu.sem_alloc : memref<!tpu.dma_semaphore, #tpu.memory_space<semaphore_mem>>
          %dma_start3A_336 = arith.constant 0 : i32
          %dma_start3A_337 = tpu.memref_slice %arg15[%rem3A_329, %dma_start3A_336] : memref<328x64xf32, #tpu.memory_space<vmem_shared>> -> memref<128x64xf32, #tpu.memory_space<vmem_shared>>
          %dma_start3A_338 = arith.constant 0 : i32
          %dma_start3A_339 = tpu.memref_slice %arg15[%rem3A_329, %dma_start3A_338] : memref<328x64xf32, #tpu.memory_space<vmem_shared>> -> memref<128x64xf32, #tpu.memory_space<vmem_shared>>
          tpu.enqueue_dma source(%dma_start3A_339 : memref<128x64xf32, #tpu.memory_space<vmem_shared>>) target(%arg14 : memref<128x64xf32, #tpu.memory_space<vmem>>) target_semaphore(%run_scoped3A : memref<!tpu.dma_semaphore, #tpu.memory_space<semaphore_mem>>)
          %dma_wait3A_340 = arith.constant 0 : i32
          %dma_wait3A_341 = tpu.memref_slice %arg15[%rem3A_329, %dma_wait3A_340] : memref<328x64xf32, #tpu.memory_space<vmem_shared>> -> memref<128x64xf32, #tpu.memory_space<vmem_shared>>
          %dma_wait3A_342 = arith.constant 0 : i32
          %dma_wait3A_343 = tpu.memref_slice %arg15[%rem3A_329, %dma_wait3A_342] : memref<328x64xf32, #tpu.memory_space<vmem_shared>> -> memref<128x64xf32, #tpu.memory_space<vmem_shared>>
          tpu.wait_dma2 semaphore(%run_scoped3A : memref<!tpu.dma_semaphore, #tpu.memory_space<semaphore_mem>>) src(%dma_wait3A_343 : memref<128x64xf32, #tpu.memory_space<vmem_shared>>) dst(%arg14 : memref<128x64xf32, #tpu.memory_space<vmem>>)
          tpu.yield
        }) : () -> ()
        %dma_start3A_330 = arith.constant 0 : i32
        %dma_start3A_331 = tpu.memref_slice %arg6[%sub3A_325, %dma_start3A_330] : memref<200x128xi32, #tpu.memory_space<vmem>> -> memref<1x128xi32, #tpu.memory_space<vmem>>
        %dma_start3A_332 = tpu.memref_squeeze %dma_start3A_331 : memref<1x128xi32, #tpu.memory_space<vmem>> -> memref<128xi32, #tpu.memory_space<vmem>>
        %dma_start3A_333 = arith.constant 0 : i32
        %dma_start3A_334 = arith.constant 0 : i32
        %dma_start3A_335 = tpu.memref_slice %arg3[%dma_start3A_333, %dma_start3A_334] : memref<1000000x64xf32, #tpu.memory_space<hbm>> -> memref<1000000x64xf32, #tpu.memory_space<hbm>>
        tpu.enqueue_indirect_dma source(%dma_start3A_335 : memref<1000000x64xf32, #tpu.memory_space<hbm>>) target(%arg14 : memref<128x64xf32, #tpu.memory_space<vmem>>) offsets(%dma_start3A_332 : memref<128xi32, #tpu.memory_space<vmem>>) semaphore(%arg23 : memref<!tpu.dma_semaphore, #tpu.memory_space<semaphore_mem>>) {add = true}
      } else {
      }
      %mul3A_136 = arith.constant 8 : i32
      %mul3A_137 = arith.muli %mul3A_136, %scan3A_111 : i32
      %add3A_138 = arith.constant 1 : i32
      %add3A_139 = arith.addi %mul3A_137, %add3A_138 : i32
      %dma_wait3A_140 = arith.constant 0 : i32
      %dma_wait3A_141 = tpu.memref_slice %arg6[%add3A_139, %dma_wait3A_140] : memref<200x128xi32, #tpu.memory_space<vmem>> -> memref<1x128xi32, #tpu.memory_space<vmem>>
      %dma_wait3A_142 = tpu.memref_squeeze %dma_wait3A_141 : memref<1x128xi32, #tpu.memory_space<vmem>> -> memref<128xi32, #tpu.memory_space<vmem>>
      %dma_wait3A_143 = arith.constant 0 : i32
      %dma_wait3A_144 = arith.constant 0 : i32
      %dma_wait3A_145 = tpu.memref_slice %arg3[%dma_wait3A_143, %dma_wait3A_144] : memref<1000000x64xf32, #tpu.memory_space<hbm>> -> memref<1000000x64xf32, #tpu.memory_space<hbm>>
      tpu.wait_indirect_dma semaphore(%arg17 : memref<!tpu.dma_semaphore, #tpu.memory_space<semaphore_mem>>) src(%dma_wait3A_145 : memref<1000000x64xf32, #tpu.memory_space<hbm>>) dst(%arg8 : memref<128x64xf32, #tpu.memory_space<vmem>>)
      %mul3A_146 = arith.constant 128 : i32
      %mul3A_147 = arith.muli %add3A_139, %mul3A_146 : i32
      %add3A_148 = arith.addi %mul3A_2, %mul3A_147 : i32
      %dma_start3A_149 = arith.constant 0 : i32
      %dma_start3A_150 = tpu.memref_slice %arg5[%add3A_148, %dma_start3A_149] : memref<819200x64xf32, #tpu.memory_space<hbm>> -> memref<128x64xf32, #tpu.memory_space<hbm>>
      %dma_start3A_151 = arith.constant 0 : i32
      %dma_start3A_152 = tpu.memref_slice %arg5[%add3A_148, %dma_start3A_151] : memref<819200x64xf32, #tpu.memory_space<hbm>> -> memref<128x64xf32, #tpu.memory_space<hbm>>
      tpu.enqueue_dma source(%arg8 : memref<128x64xf32, #tpu.memory_space<vmem>>) target(%dma_start3A_152 : memref<128x64xf32, #tpu.memory_space<hbm>>) target_semaphore(%arg25 : memref<!tpu.dma_semaphore, #tpu.memory_space<semaphore_mem>>)
      %add3A_153 = arith.constant 8 : i32
      %add3A_154 = arith.addi %add3A_139, %add3A_153 : i32
      %sub3A_155 = arith.constant 1 : i32
      %sub3A_156 = arith.subi %add3A_154, %sub3A_155 : i32
      %lt3A_157 = arith.constant 200 : i32
      %lt3A_158 = arith.cmpi slt, %sub3A_156, %lt3A_157 : i32
      %convert_element_type3A_159 = arith.extui %lt3A_158 : i1 to i32
      %cond3A_160 = arith.constant 0 : i32
      %cond3A_161 = arith.cmpi ne, %convert_element_type3A_159, %cond3A_160 : i32
      scf.if %cond3A_161 {
        %ge3A = arith.constant 1 : i32
        %ge3A_318 = arith.cmpi sge, %add3A_139, %ge3A : i32
        %convert_element_type3A_319 = arith.extui %ge3A_318 : i1 to i32
        %cond3A_320 = arith.constant 0 : i32
        %cond3A_321 = arith.cmpi ne, %convert_element_type3A_319, %cond3A_320 : i32
        scf.if %cond3A_321 {
          %dma_wait3A_336 = arith.constant 0 : i32
          %dma_wait3A_337 = tpu.memref_slice %arg5[%mul3A_2, %dma_wait3A_336] : memref<819200x64xf32, #tpu.memory_space<hbm>> -> memref<128x64xf32, #tpu.memory_space<hbm>>
          %dma_wait3A_338 = arith.constant 0 : i32
          %dma_wait3A_339 = tpu.memref_slice %arg5[%mul3A_2, %dma_wait3A_338] : memref<819200x64xf32, #tpu.memory_space<hbm>> -> memref<128x64xf32, #tpu.memory_space<hbm>>
          tpu.wait_dma2 semaphore(%arg24 : memref<!tpu.dma_semaphore, #tpu.memory_space<semaphore_mem>>) src(%arg7 : memref<128x64xf32, #tpu.memory_space<vmem>>) dst(%dma_wait3A_339 : memref<128x64xf32, #tpu.memory_space<hbm>>)
        } else {
        }
        %add3A_322 = arith.constant 8 : i32
        %add3A_323 = arith.addi %add3A_139, %add3A_322 : i32
        %sub3A_324 = arith.constant 1 : i32
        %sub3A_325 = arith.subi %add3A_323, %sub3A_324 : i32
        %mul3A_326 = arith.constant 128 : i32
        %mul3A_327 = arith.muli %sub3A_325, %mul3A_326 : i32
        %rem3A_328 = arith.constant 200 : i32
        %rem3A_329 = arith.remsi %mul3A_327, %rem3A_328 : i32
        "tpu.region"() ({
          %run_scoped3A = tpu.sem_alloc : memref<!tpu.dma_semaphore, #tpu.memory_space<semaphore_mem>>
          %dma_start3A_336 = arith.constant 0 : i32
          %dma_start3A_337 = tpu.memref_slice %arg15[%rem3A_329, %dma_start3A_336] : memref<328x64xf32, #tpu.memory_space<vmem_shared>> -> memref<128x64xf32, #tpu.memory_space<vmem_shared>>
          %dma_start3A_338 = arith.constant 0 : i32
          %dma_start3A_339 = tpu.memref_slice %arg15[%rem3A_329, %dma_start3A_338] : memref<328x64xf32, #tpu.memory_space<vmem_shared>> -> memref<128x64xf32, #tpu.memory_space<vmem_shared>>
          tpu.enqueue_dma source(%dma_start3A_339 : memref<128x64xf32, #tpu.memory_space<vmem_shared>>) target(%arg7 : memref<128x64xf32, #tpu.memory_space<vmem>>) target_semaphore(%run_scoped3A : memref<!tpu.dma_semaphore, #tpu.memory_space<semaphore_mem>>)
          %dma_wait3A_340 = arith.constant 0 : i32
          %dma_wait3A_341 = tpu.memref_slice %arg15[%rem3A_329, %dma_wait3A_340] : memref<328x64xf32, #tpu.memory_space<vmem_shared>> -> memref<128x64xf32, #tpu.memory_space<vmem_shared>>
          %dma_wait3A_342 = arith.constant 0 : i32
          %dma_wait3A_343 = tpu.memref_slice %arg15[%rem3A_329, %dma_wait3A_342] : memref<328x64xf32, #tpu.memory_space<vmem_shared>> -> memref<128x64xf32, #tpu.memory_space<vmem_shared>>
          tpu.wait_dma2 semaphore(%run_scoped3A : memref<!tpu.dma_semaphore, #tpu.memory_space<semaphore_mem>>) src(%dma_wait3A_343 : memref<128x64xf32, #tpu.memory_space<vmem_shared>>) dst(%arg7 : memref<128x64xf32, #tpu.memory_space<vmem>>)
          tpu.yield
        }) : () -> ()
        %dma_start3A_330 = arith.constant 0 : i32
        %dma_start3A_331 = tpu.memref_slice %arg6[%sub3A_325, %dma_start3A_330] : memref<200x128xi32, #tpu.memory_space<vmem>> -> memref<1x128xi32, #tpu.memory_space<vmem>>
        %dma_start3A_332 = tpu.memref_squeeze %dma_start3A_331 : memref<1x128xi32, #tpu.memory_space<vmem>> -> memref<128xi32, #tpu.memory_space<vmem>>
        %dma_start3A_333 = arith.constant 0 : i32
        %dma_start3A_334 = arith.constant 0 : i32
        %dma_start3A_335 = tpu.memref_slice %arg3[%dma_start3A_333, %dma_start3A_334] : memref<1000000x64xf32, #tpu.memory_space<hbm>> -> memref<1000000x64xf32, #tpu.memory_space<hbm>>
        tpu.enqueue_indirect_dma source(%dma_start3A_335 : memref<1000000x64xf32, #tpu.memory_space<hbm>>) target(%arg7 : memref<128x64xf32, #tpu.memory_space<vmem>>) offsets(%dma_start3A_332 : memref<128xi32, #tpu.memory_space<vmem>>) semaphore(%arg16 : memref<!tpu.dma_semaphore, #tpu.memory_space<semaphore_mem>>) {add = true}
      } else {
      }
      %mul3A_162 = arith.constant 8 : i32
      %mul3A_163 = arith.muli %mul3A_162, %scan3A_111 : i32
      %add3A_164 = arith.constant 2 : i32
      %add3A_165 = arith.addi %mul3A_163, %add3A_164 : i32
      %dma_wait3A_166 = arith.constant 0 : i32
      %dma_wait3A_167 = tpu.memref_slice %arg6[%add3A_165, %dma_wait3A_166] : memref<200x128xi32, #tpu.memory_space<vmem>> -> memref<1x128xi32, #tpu.memory_space<vmem>>
      %dma_wait3A_168 = tpu.memref_squeeze %dma_wait3A_167 : memref<1x128xi32, #tpu.memory_space<vmem>> -> memref<128xi32, #tpu.memory_space<vmem>>
      %dma_wait3A_169 = arith.constant 0 : i32
      %dma_wait3A_170 = arith.constant 0 : i32
      %dma_wait3A_171 = tpu.memref_slice %arg3[%dma_wait3A_169, %dma_wait3A_170] : memref<1000000x64xf32, #tpu.memory_space<hbm>> -> memref<1000000x64xf32, #tpu.memory_space<hbm>>
      tpu.wait_indirect_dma semaphore(%arg18 : memref<!tpu.dma_semaphore, #tpu.memory_space<semaphore_mem>>) src(%dma_wait3A_171 : memref<1000000x64xf32, #tpu.memory_space<hbm>>) dst(%arg9 : memref<128x64xf32, #tpu.memory_space<vmem>>)
      %mul3A_172 = arith.constant 128 : i32
      %mul3A_173 = arith.muli %add3A_165, %mul3A_172 : i32
      %add3A_174 = arith.addi %mul3A_2, %mul3A_173 : i32
      %dma_start3A_175 = arith.constant 0 : i32
      %dma_start3A_176 = tpu.memref_slice %arg5[%add3A_174, %dma_start3A_175] : memref<819200x64xf32, #tpu.memory_space<hbm>> -> memref<128x64xf32, #tpu.memory_space<hbm>>
      %dma_start3A_177 = arith.constant 0 : i32
      %dma_start3A_178 = tpu.memref_slice %arg5[%add3A_174, %dma_start3A_177] : memref<819200x64xf32, #tpu.memory_space<hbm>> -> memref<128x64xf32, #tpu.memory_space<hbm>>
      tpu.enqueue_dma source(%arg9 : memref<128x64xf32, #tpu.memory_space<vmem>>) target(%dma_start3A_178 : memref<128x64xf32, #tpu.memory_space<hbm>>) target_semaphore(%arg26 : memref<!tpu.dma_semaphore, #tpu.memory_space<semaphore_mem>>)
      %add3A_179 = arith.constant 8 : i32
      %add3A_180 = arith.addi %add3A_165, %add3A_179 : i32
      %sub3A_181 = arith.constant 1 : i32
      %sub3A_182 = arith.subi %add3A_180, %sub3A_181 : i32
      %lt3A_183 = arith.constant 200 : i32
      %lt3A_184 = arith.cmpi slt, %sub3A_182, %lt3A_183 : i32
      %convert_element_type3A_185 = arith.extui %lt3A_184 : i1 to i32
      %cond3A_186 = arith.constant 0 : i32
      %cond3A_187 = arith.cmpi ne, %convert_element_type3A_185, %cond3A_186 : i32
      scf.if %cond3A_187 {
        %ge3A = arith.constant 1 : i32
        %ge3A_318 = arith.cmpi sge, %add3A_165, %ge3A : i32
        %convert_element_type3A_319 = arith.extui %ge3A_318 : i1 to i32
        %cond3A_320 = arith.constant 0 : i32
        %cond3A_321 = arith.cmpi ne, %convert_element_type3A_319, %cond3A_320 : i32
        scf.if %cond3A_321 {
          %dma_wait3A_336 = arith.constant 0 : i32
          %dma_wait3A_337 = tpu.memref_slice %arg5[%mul3A_2, %dma_wait3A_336] : memref<819200x64xf32, #tpu.memory_space<hbm>> -> memref<128x64xf32, #tpu.memory_space<hbm>>
          %dma_wait3A_338 = arith.constant 0 : i32
          %dma_wait3A_339 = tpu.memref_slice %arg5[%mul3A_2, %dma_wait3A_338] : memref<819200x64xf32, #tpu.memory_space<hbm>> -> memref<128x64xf32, #tpu.memory_space<hbm>>
          tpu.wait_dma2 semaphore(%arg25 : memref<!tpu.dma_semaphore, #tpu.memory_space<semaphore_mem>>) src(%arg8 : memref<128x64xf32, #tpu.memory_space<vmem>>) dst(%dma_wait3A_339 : memref<128x64xf32, #tpu.memory_space<hbm>>)
        } else {
        }
        %add3A_322 = arith.constant 8 : i32
        %add3A_323 = arith.addi %add3A_165, %add3A_322 : i32
        %sub3A_324 = arith.constant 1 : i32
        %sub3A_325 = arith.subi %add3A_323, %sub3A_324 : i32
        %mul3A_326 = arith.constant 128 : i32
        %mul3A_327 = arith.muli %sub3A_325, %mul3A_326 : i32
        %rem3A_328 = arith.constant 200 : i32
        %rem3A_329 = arith.remsi %mul3A_327, %rem3A_328 : i32
        "tpu.region"() ({
          %run_scoped3A = tpu.sem_alloc : memref<!tpu.dma_semaphore, #tpu.memory_space<semaphore_mem>>
          %dma_start3A_336 = arith.constant 0 : i32
          %dma_start3A_337 = tpu.memref_slice %arg15[%rem3A_329, %dma_start3A_336] : memref<328x64xf32, #tpu.memory_space<vmem_shared>> -> memref<128x64xf32, #tpu.memory_space<vmem_shared>>
          %dma_start3A_338 = arith.constant 0 : i32
          %dma_start3A_339 = tpu.memref_slice %arg15[%rem3A_329, %dma_start3A_338] : memref<328x64xf32, #tpu.memory_space<vmem_shared>> -> memref<128x64xf32, #tpu.memory_space<vmem_shared>>
          tpu.enqueue_dma source(%dma_start3A_339 : memref<128x64xf32, #tpu.memory_space<vmem_shared>>) target(%arg8 : memref<128x64xf32, #tpu.memory_space<vmem>>) target_semaphore(%run_scoped3A : memref<!tpu.dma_semaphore, #tpu.memory_space<semaphore_mem>>)
          %dma_wait3A_340 = arith.constant 0 : i32
          %dma_wait3A_341 = tpu.memref_slice %arg15[%rem3A_329, %dma_wait3A_340] : memref<328x64xf32, #tpu.memory_space<vmem_shared>> -> memref<128x64xf32, #tpu.memory_space<vmem_shared>>
          %dma_wait3A_342 = arith.constant 0 : i32
          %dma_wait3A_343 = tpu.memref_slice %arg15[%rem3A_329, %dma_wait3A_342] : memref<328x64xf32, #tpu.memory_space<vmem_shared>> -> memref<128x64xf32, #tpu.memory_space<vmem_shared>>
          tpu.wait_dma2 semaphore(%run_scoped3A : memref<!tpu.dma_semaphore, #tpu.memory_space<semaphore_mem>>) src(%dma_wait3A_343 : memref<128x64xf32, #tpu.memory_space<vmem_shared>>) dst(%arg8 : memref<128x64xf32, #tpu.memory_space<vmem>>)
          tpu.yield
        }) : () -> ()
        %dma_start3A_330 = arith.constant 0 : i32
        %dma_start3A_331 = tpu.memref_slice %arg6[%sub3A_325, %dma_start3A_330] : memref<200x128xi32, #tpu.memory_space<vmem>> -> memref<1x128xi32, #tpu.memory_space<vmem>>
        %dma_start3A_332 = tpu.memref_squeeze %dma_start3A_331 : memref<1x128xi32, #tpu.memory_space<vmem>> -> memref<128xi32, #tpu.memory_space<vmem>>
        %dma_start3A_333 = arith.constant 0 : i32
        %dma_start3A_334 = arith.constant 0 : i32
        %dma_start3A_335 = tpu.memref_slice %arg3[%dma_start3A_333, %dma_start3A_334] : memref<1000000x64xf32, #tpu.memory_space<hbm>> -> memref<1000000x64xf32, #tpu.memory_space<hbm>>
        tpu.enqueue_indirect_dma source(%dma_start3A_335 : memref<1000000x64xf32, #tpu.memory_space<hbm>>) target(%arg8 : memref<128x64xf32, #tpu.memory_space<vmem>>) offsets(%dma_start3A_332 : memref<128xi32, #tpu.memory_space<vmem>>) semaphore(%arg17 : memref<!tpu.dma_semaphore, #tpu.memory_space<semaphore_mem>>) {add = true}
      } else {
      }
      %mul3A_188 = arith.constant 8 : i32
      %mul3A_189 = arith.muli %mul3A_188, %scan3A_111 : i32
      %add3A_190 = arith.constant 3 : i32
      %add3A_191 = arith.addi %mul3A_189, %add3A_190 : i32
      %dma_wait3A_192 = arith.constant 0 : i32
      %dma_wait3A_193 = tpu.memref_slice %arg6[%add3A_191, %dma_wait3A_192] : memref<200x128xi32, #tpu.memory_space<vmem>> -> memref<1x128xi32, #tpu.memory_space<vmem>>
      %dma_wait3A_194 = tpu.memref_squeeze %dma_wait3A_193 : memref<1x128xi32, #tpu.memory_space<vmem>> -> memref<128xi32, #tpu.memory_space<vmem>>
      %dma_wait3A_195 = arith.constant 0 : i32
      %dma_wait3A_196 = arith.constant 0 : i32
      %dma_wait3A_197 = tpu.memref_slice %arg3[%dma_wait3A_195, %dma_wait3A_196] : memref<1000000x64xf32, #tpu.memory_space<hbm>> -> memref<1000000x64xf32, #tpu.memory_space<hbm>>
      tpu.wait_indirect_dma semaphore(%arg19 : memref<!tpu.dma_semaphore, #tpu.memory_space<semaphore_mem>>) src(%dma_wait3A_197 : memref<1000000x64xf32, #tpu.memory_space<hbm>>) dst(%arg10 : memref<128x64xf32, #tpu.memory_space<vmem>>)
      %mul3A_198 = arith.constant 128 : i32
      %mul3A_199 = arith.muli %add3A_191, %mul3A_198 : i32
      %add3A_200 = arith.addi %mul3A_2, %mul3A_199 : i32
      %dma_start3A_201 = arith.constant 0 : i32
      %dma_start3A_202 = tpu.memref_slice %arg5[%add3A_200, %dma_start3A_201] : memref<819200x64xf32, #tpu.memory_space<hbm>> -> memref<128x64xf32, #tpu.memory_space<hbm>>
      %dma_start3A_203 = arith.constant 0 : i32
      %dma_start3A_204 = tpu.memref_slice %arg5[%add3A_200, %dma_start3A_203] : memref<819200x64xf32, #tpu.memory_space<hbm>> -> memref<128x64xf32, #tpu.memory_space<hbm>>
      tpu.enqueue_dma source(%arg10 : memref<128x64xf32, #tpu.memory_space<vmem>>) target(%dma_start3A_204 : memref<128x64xf32, #tpu.memory_space<hbm>>) target_semaphore(%arg27 : memref<!tpu.dma_semaphore, #tpu.memory_space<semaphore_mem>>)
      %add3A_205 = arith.constant 8 : i32
      %add3A_206 = arith.addi %add3A_191, %add3A_205 : i32
      %sub3A_207 = arith.constant 1 : i32
      %sub3A_208 = arith.subi %add3A_206, %sub3A_207 : i32
      %lt3A_209 = arith.constant 200 : i32
      %lt3A_210 = arith.cmpi slt, %sub3A_208, %lt3A_209 : i32
      %convert_element_type3A_211 = arith.extui %lt3A_210 : i1 to i32
      %cond3A_212 = arith.constant 0 : i32
      %cond3A_213 = arith.cmpi ne, %convert_element_type3A_211, %cond3A_212 : i32
      scf.if %cond3A_213 {
        %ge3A = arith.constant 1 : i32
        %ge3A_318 = arith.cmpi sge, %add3A_191, %ge3A : i32
        %convert_element_type3A_319 = arith.extui %ge3A_318 : i1 to i32
        %cond3A_320 = arith.constant 0 : i32
        %cond3A_321 = arith.cmpi ne, %convert_element_type3A_319, %cond3A_320 : i32
        scf.if %cond3A_321 {
          %dma_wait3A_336 = arith.constant 0 : i32
          %dma_wait3A_337 = tpu.memref_slice %arg5[%mul3A_2, %dma_wait3A_336] : memref<819200x64xf32, #tpu.memory_space<hbm>> -> memref<128x64xf32, #tpu.memory_space<hbm>>
          %dma_wait3A_338 = arith.constant 0 : i32
          %dma_wait3A_339 = tpu.memref_slice %arg5[%mul3A_2, %dma_wait3A_338] : memref<819200x64xf32, #tpu.memory_space<hbm>> -> memref<128x64xf32, #tpu.memory_space<hbm>>
          tpu.wait_dma2 semaphore(%arg26 : memref<!tpu.dma_semaphore, #tpu.memory_space<semaphore_mem>>) src(%arg9 : memref<128x64xf32, #tpu.memory_space<vmem>>) dst(%dma_wait3A_339 : memref<128x64xf32, #tpu.memory_space<hbm>>)
        } else {
        }
        %add3A_322 = arith.constant 8 : i32
        %add3A_323 = arith.addi %add3A_191, %add3A_322 : i32
        %sub3A_324 = arith.constant 1 : i32
        %sub3A_325 = arith.subi %add3A_323, %sub3A_324 : i32
        %mul3A_326 = arith.constant 128 : i32
        %mul3A_327 = arith.muli %sub3A_325, %mul3A_326 : i32
        %rem3A_328 = arith.constant 200 : i32
        %rem3A_329 = arith.remsi %mul3A_327, %rem3A_328 : i32
        "tpu.region"() ({
          %run_scoped3A = tpu.sem_alloc : memref<!tpu.dma_semaphore, #tpu.memory_space<semaphore_mem>>
          %dma_start3A_336 = arith.constant 0 : i32
          %dma_start3A_337 = tpu.memref_slice %arg15[%rem3A_329, %dma_start3A_336] : memref<328x64xf32, #tpu.memory_space<vmem_shared>> -> memref<128x64xf32, #tpu.memory_space<vmem_shared>>
          %dma_start3A_338 = arith.constant 0 : i32
          %dma_start3A_339 = tpu.memref_slice %arg15[%rem3A_329, %dma_start3A_338] : memref<328x64xf32, #tpu.memory_space<vmem_shared>> -> memref<128x64xf32, #tpu.memory_space<vmem_shared>>
          tpu.enqueue_dma source(%dma_start3A_339 : memref<128x64xf32, #tpu.memory_space<vmem_shared>>) target(%arg9 : memref<128x64xf32, #tpu.memory_space<vmem>>) target_semaphore(%run_scoped3A : memref<!tpu.dma_semaphore, #tpu.memory_space<semaphore_mem>>)
          %dma_wait3A_340 = arith.constant 0 : i32
          %dma_wait3A_341 = tpu.memref_slice %arg15[%rem3A_329, %dma_wait3A_340] : memref<328x64xf32, #tpu.memory_space<vmem_shared>> -> memref<128x64xf32, #tpu.memory_space<vmem_shared>>
          %dma_wait3A_342 = arith.constant 0 : i32
          %dma_wait3A_343 = tpu.memref_slice %arg15[%rem3A_329, %dma_wait3A_342] : memref<328x64xf32, #tpu.memory_space<vmem_shared>> -> memref<128x64xf32, #tpu.memory_space<vmem_shared>>
          tpu.wait_dma2 semaphore(%run_scoped3A : memref<!tpu.dma_semaphore, #tpu.memory_space<semaphore_mem>>) src(%dma_wait3A_343 : memref<128x64xf32, #tpu.memory_space<vmem_shared>>) dst(%arg9 : memref<128x64xf32, #tpu.memory_space<vmem>>)
          tpu.yield
        }) : () -> ()
        %dma_start3A_330 = arith.constant 0 : i32
        %dma_start3A_331 = tpu.memref_slice %arg6[%sub3A_325, %dma_start3A_330] : memref<200x128xi32, #tpu.memory_space<vmem>> -> memref<1x128xi32, #tpu.memory_space<vmem>>
        %dma_start3A_332 = tpu.memref_squeeze %dma_start3A_331 : memref<1x128xi32, #tpu.memory_space<vmem>> -> memref<128xi32, #tpu.memory_space<vmem>>
        %dma_start3A_333 = arith.constant 0 : i32
        %dma_start3A_334 = arith.constant 0 : i32
        %dma_start3A_335 = tpu.memref_slice %arg3[%dma_start3A_333, %dma_start3A_334] : memref<1000000x64xf32, #tpu.memory_space<hbm>> -> memref<1000000x64xf32, #tpu.memory_space<hbm>>
        tpu.enqueue_indirect_dma source(%dma_start3A_335 : memref<1000000x64xf32, #tpu.memory_space<hbm>>) target(%arg9 : memref<128x64xf32, #tpu.memory_space<vmem>>) offsets(%dma_start3A_332 : memref<128xi32, #tpu.memory_space<vmem>>) semaphore(%arg18 : memref<!tpu.dma_semaphore, #tpu.memory_space<semaphore_mem>>) {add = true}
      } else {
      }
      %mul3A_214 = arith.constant 8 : i32
      %mul3A_215 = arith.muli %mul3A_214, %scan3A_111 : i32
      %add3A_216 = arith.constant 4 : i32
      %add3A_217 = arith.addi %mul3A_215, %add3A_216 : i32
      %dma_wait3A_218 = arith.constant 0 : i32
      %dma_wait3A_219 = tpu.memref_slice %arg6[%add3A_217, %dma_wait3A_218] : memref<200x128xi32, #tpu.memory_space<vmem>> -> memref<1x128xi32, #tpu.memory_space<vmem>>
      %dma_wait3A_220 = tpu.memref_squeeze %dma_wait3A_219 : memref<1x128xi32, #tpu.memory_space<vmem>> -> memref<128xi32, #tpu.memory_space<vmem>>
      %dma_wait3A_221 = arith.constant 0 : i32
      %dma_wait3A_222 = arith.constant 0 : i32
      %dma_wait3A_223 = tpu.memref_slice %arg3[%dma_wait3A_221, %dma_wait3A_222] : memref<1000000x64xf32, #tpu.memory_space<hbm>> -> memref<1000000x64xf32, #tpu.memory_space<hbm>>
      tpu.wait_indirect_dma semaphore(%arg20 : memref<!tpu.dma_semaphore, #tpu.memory_space<semaphore_mem>>) src(%dma_wait3A_223 : memref<1000000x64xf32, #tpu.memory_space<hbm>>) dst(%arg11 : memref<128x64xf32, #tpu.memory_space<vmem>>)
      %mul3A_224 = arith.constant 128 : i32
      %mul3A_225 = arith.muli %add3A_217, %mul3A_224 : i32
      %add3A_226 = arith.addi %mul3A_2, %mul3A_225 : i32
      %dma_start3A_227 = arith.constant 0 : i32
      %dma_start3A_228 = tpu.memref_slice %arg5[%add3A_226, %dma_start3A_227] : memref<819200x64xf32, #tpu.memory_space<hbm>> -> memref<128x64xf32, #tpu.memory_space<hbm>>
      %dma_start3A_229 = arith.constant 0 : i32
      %dma_start3A_230 = tpu.memref_slice %arg5[%add3A_226, %dma_start3A_229] : memref<819200x64xf32, #tpu.memory_space<hbm>> -> memref<128x64xf32, #tpu.memory_space<hbm>>
      tpu.enqueue_dma source(%arg11 : memref<128x64xf32, #tpu.memory_space<vmem>>) target(%dma_start3A_230 : memref<128x64xf32, #tpu.memory_space<hbm>>) target_semaphore(%arg28 : memref<!tpu.dma_semaphore, #tpu.memory_space<semaphore_mem>>)
      %add3A_231 = arith.constant 8 : i32
      %add3A_232 = arith.addi %add3A_217, %add3A_231 : i32
      %sub3A_233 = arith.constant 1 : i32
      %sub3A_234 = arith.subi %add3A_232, %sub3A_233 : i32
      %lt3A_235 = arith.constant 200 : i32
      %lt3A_236 = arith.cmpi slt, %sub3A_234, %lt3A_235 : i32
      %convert_element_type3A_237 = arith.extui %lt3A_236 : i1 to i32
      %cond3A_238 = arith.constant 0 : i32
      %cond3A_239 = arith.cmpi ne, %convert_element_type3A_237, %cond3A_238 : i32
      scf.if %cond3A_239 {
        %ge3A = arith.constant 1 : i32
        %ge3A_318 = arith.cmpi sge, %add3A_217, %ge3A : i32
        %convert_element_type3A_319 = arith.extui %ge3A_318 : i1 to i32
        %cond3A_320 = arith.constant 0 : i32
        %cond3A_321 = arith.cmpi ne, %convert_element_type3A_319, %cond3A_320 : i32
        scf.if %cond3A_321 {
          %dma_wait3A_336 = arith.constant 0 : i32
          %dma_wait3A_337 = tpu.memref_slice %arg5[%mul3A_2, %dma_wait3A_336] : memref<819200x64xf32, #tpu.memory_space<hbm>> -> memref<128x64xf32, #tpu.memory_space<hbm>>
          %dma_wait3A_338 = arith.constant 0 : i32
          %dma_wait3A_339 = tpu.memref_slice %arg5[%mul3A_2, %dma_wait3A_338] : memref<819200x64xf32, #tpu.memory_space<hbm>> -> memref<128x64xf32, #tpu.memory_space<hbm>>
          tpu.wait_dma2 semaphore(%arg27 : memref<!tpu.dma_semaphore, #tpu.memory_space<semaphore_mem>>) src(%arg10 : memref<128x64xf32, #tpu.memory_space<vmem>>) dst(%dma_wait3A_339 : memref<128x64xf32, #tpu.memory_space<hbm>>)
        } else {
        }
        %add3A_322 = arith.constant 8 : i32
        %add3A_323 = arith.addi %add3A_217, %add3A_322 : i32
        %sub3A_324 = arith.constant 1 : i32
        %sub3A_325 = arith.subi %add3A_323, %sub3A_324 : i32
        %mul3A_326 = arith.constant 128 : i32
        %mul3A_327 = arith.muli %sub3A_325, %mul3A_326 : i32
        %rem3A_328 = arith.constant 200 : i32
        %rem3A_329 = arith.remsi %mul3A_327, %rem3A_328 : i32
        "tpu.region"() ({
          %run_scoped3A = tpu.sem_alloc : memref<!tpu.dma_semaphore, #tpu.memory_space<semaphore_mem>>
          %dma_start3A_336 = arith.constant 0 : i32
          %dma_start3A_337 = tpu.memref_slice %arg15[%rem3A_329, %dma_start3A_336] : memref<328x64xf32, #tpu.memory_space<vmem_shared>> -> memref<128x64xf32, #tpu.memory_space<vmem_shared>>
          %dma_start3A_338 = arith.constant 0 : i32
          %dma_start3A_339 = tpu.memref_slice %arg15[%rem3A_329, %dma_start3A_338] : memref<328x64xf32, #tpu.memory_space<vmem_shared>> -> memref<128x64xf32, #tpu.memory_space<vmem_shared>>
          tpu.enqueue_dma source(%dma_start3A_339 : memref<128x64xf32, #tpu.memory_space<vmem_shared>>) target(%arg10 : memref<128x64xf32, #tpu.memory_space<vmem>>) target_semaphore(%run_scoped3A : memref<!tpu.dma_semaphore, #tpu.memory_space<semaphore_mem>>)
          %dma_wait3A_340 = arith.constant 0 : i32
          %dma_wait3A_341 = tpu.memref_slice %arg15[%rem3A_329, %dma_wait3A_340] : memref<328x64xf32, #tpu.memory_space<vmem_shared>> -> memref<128x64xf32, #tpu.memory_space<vmem_shared>>
          %dma_wait3A_342 = arith.constant 0 : i32
          %dma_wait3A_343 = tpu.memref_slice %arg15[%rem3A_329, %dma_wait3A_342] : memref<328x64xf32, #tpu.memory_space<vmem_shared>> -> memref<128x64xf32, #tpu.memory_space<vmem_shared>>
          tpu.wait_dma2 semaphore(%run_scoped3A : memref<!tpu.dma_semaphore, #tpu.memory_space<semaphore_mem>>) src(%dma_wait3A_343 : memref<128x64xf32, #tpu.memory_space<vmem_shared>>) dst(%arg10 : memref<128x64xf32, #tpu.memory_space<vmem>>)
          tpu.yield
        }) : () -> ()
        %dma_start3A_330 = arith.constant 0 : i32
        %dma_start3A_331 = tpu.memref_slice %arg6[%sub3A_325, %dma_start3A_330] : memref<200x128xi32, #tpu.memory_space<vmem>> -> memref<1x128xi32, #tpu.memory_space<vmem>>
        %dma_start3A_332 = tpu.memref_squeeze %dma_start3A_331 : memref<1x128xi32, #tpu.memory_space<vmem>> -> memref<128xi32, #tpu.memory_space<vmem>>
        %dma_start3A_333 = arith.constant 0 : i32
        %dma_start3A_334 = arith.constant 0 : i32
        %dma_start3A_335 = tpu.memref_slice %arg3[%dma_start3A_333, %dma_start3A_334] : memref<1000000x64xf32, #tpu.memory_space<hbm>> -> memref<1000000x64xf32, #tpu.memory_space<hbm>>
        tpu.enqueue_indirect_dma source(%dma_start3A_335 : memref<1000000x64xf32, #tpu.memory_space<hbm>>) target(%arg10 : memref<128x64xf32, #tpu.memory_space<vmem>>) offsets(%dma_start3A_332 : memref<128xi32, #tpu.memory_space<vmem>>) semaphore(%arg19 : memref<!tpu.dma_semaphore, #tpu.memory_space<semaphore_mem>>) {add = true}
      } else {
      }
      %mul3A_240 = arith.constant 8 : i32
      %mul3A_241 = arith.muli %mul3A_240, %scan3A_111 : i32
      %add3A_242 = arith.constant 5 : i32
      %add3A_243 = arith.addi %mul3A_241, %add3A_242 : i32
      %dma_wait3A_244 = arith.constant 0 : i32
      %dma_wait3A_245 = tpu.memref_slice %arg6[%add3A_243, %dma_wait3A_244] : memref<200x128xi32, #tpu.memory_space<vmem>> -> memref<1x128xi32, #tpu.memory_space<vmem>>
      %dma_wait3A_246 = tpu.memref_squeeze %dma_wait3A_245 : memref<1x128xi32, #tpu.memory_space<vmem>> -> memref<128xi32, #tpu.memory_space<vmem>>
      %dma_wait3A_247 = arith.constant 0 : i32
      %dma_wait3A_248 = arith.constant 0 : i32
      %dma_wait3A_249 = tpu.memref_slice %arg3[%dma_wait3A_247, %dma_wait3A_248] : memref<1000000x64xf32, #tpu.memory_space<hbm>> -> memref<1000000x64xf32, #tpu.memory_space<hbm>>
      tpu.wait_indirect_dma semaphore(%arg21 : memref<!tpu.dma_semaphore, #tpu.memory_space<semaphore_mem>>) src(%dma_wait3A_249 : memref<1000000x64xf32, #tpu.memory_space<hbm>>) dst(%arg12 : memref<128x64xf32, #tpu.memory_space<vmem>>)
      %mul3A_250 = arith.constant 128 : i32
      %mul3A_251 = arith.muli %add3A_243, %mul3A_250 : i32
      %add3A_252 = arith.addi %mul3A_2, %mul3A_251 : i32
      %dma_start3A_253 = arith.constant 0 : i32
      %dma_start3A_254 = tpu.memref_slice %arg5[%add3A_252, %dma_start3A_253] : memref<819200x64xf32, #tpu.memory_space<hbm>> -> memref<128x64xf32, #tpu.memory_space<hbm>>
      %dma_start3A_255 = arith.constant 0 : i32
      %dma_start3A_256 = tpu.memref_slice %arg5[%add3A_252, %dma_start3A_255] : memref<819200x64xf32, #tpu.memory_space<hbm>> -> memref<128x64xf32, #tpu.memory_space<hbm>>
      tpu.enqueue_dma source(%arg12 : memref<128x64xf32, #tpu.memory_space<vmem>>) target(%dma_start3A_256 : memref<128x64xf32, #tpu.memory_space<hbm>>) target_semaphore(%arg29 : memref<!tpu.dma_semaphore, #tpu.memory_space<semaphore_mem>>)
      %add3A_257 = arith.constant 8 : i32
      %add3A_258 = arith.addi %add3A_243, %add3A_257 : i32
      %sub3A_259 = arith.constant 1 : i32
      %sub3A_260 = arith.subi %add3A_258, %sub3A_259 : i32
      %lt3A_261 = arith.constant 200 : i32
      %lt3A_262 = arith.cmpi slt, %sub3A_260, %lt3A_261 : i32
      %convert_element_type3A_263 = arith.extui %lt3A_262 : i1 to i32
      %cond3A_264 = arith.constant 0 : i32
      %cond3A_265 = arith.cmpi ne, %convert_element_type3A_263, %cond3A_264 : i32
      scf.if %cond3A_265 {
        %ge3A = arith.constant 1 : i32
        %ge3A_318 = arith.cmpi sge, %add3A_243, %ge3A : i32
        %convert_element_type3A_319 = arith.extui %ge3A_318 : i1 to i32
        %cond3A_320 = arith.constant 0 : i32
        %cond3A_321 = arith.cmpi ne, %convert_element_type3A_319, %cond3A_320 : i32
        scf.if %cond3A_321 {
          %dma_wait3A_336 = arith.constant 0 : i32
          %dma_wait3A_337 = tpu.memref_slice %arg5[%mul3A_2, %dma_wait3A_336] : memref<819200x64xf32, #tpu.memory_space<hbm>> -> memref<128x64xf32, #tpu.memory_space<hbm>>
          %dma_wait3A_338 = arith.constant 0 : i32
          %dma_wait3A_339 = tpu.memref_slice %arg5[%mul3A_2, %dma_wait3A_338] : memref<819200x64xf32, #tpu.memory_space<hbm>> -> memref<128x64xf32, #tpu.memory_space<hbm>>
          tpu.wait_dma2 semaphore(%arg28 : memref<!tpu.dma_semaphore, #tpu.memory_space<semaphore_mem>>) src(%arg11 : memref<128x64xf32, #tpu.memory_space<vmem>>) dst(%dma_wait3A_339 : memref<128x64xf32, #tpu.memory_space<hbm>>)
        } else {
        }
        %add3A_322 = arith.constant 8 : i32
        %add3A_323 = arith.addi %add3A_243, %add3A_322 : i32
        %sub3A_324 = arith.constant 1 : i32
        %sub3A_325 = arith.subi %add3A_323, %sub3A_324 : i32
        %mul3A_326 = arith.constant 128 : i32
        %mul3A_327 = arith.muli %sub3A_325, %mul3A_326 : i32
        %rem3A_328 = arith.constant 200 : i32
        %rem3A_329 = arith.remsi %mul3A_327, %rem3A_328 : i32
        "tpu.region"() ({
          %run_scoped3A = tpu.sem_alloc : memref<!tpu.dma_semaphore, #tpu.memory_space<semaphore_mem>>
          %dma_start3A_336 = arith.constant 0 : i32
          %dma_start3A_337 = tpu.memref_slice %arg15[%rem3A_329, %dma_start3A_336] : memref<328x64xf32, #tpu.memory_space<vmem_shared>> -> memref<128x64xf32, #tpu.memory_space<vmem_shared>>
          %dma_start3A_338 = arith.constant 0 : i32
          %dma_start3A_339 = tpu.memref_slice %arg15[%rem3A_329, %dma_start3A_338] : memref<328x64xf32, #tpu.memory_space<vmem_shared>> -> memref<128x64xf32, #tpu.memory_space<vmem_shared>>
          tpu.enqueue_dma source(%dma_start3A_339 : memref<128x64xf32, #tpu.memory_space<vmem_shared>>) target(%arg11 : memref<128x64xf32, #tpu.memory_space<vmem>>) target_semaphore(%run_scoped3A : memref<!tpu.dma_semaphore, #tpu.memory_space<semaphore_mem>>)
          %dma_wait3A_340 = arith.constant 0 : i32
          %dma_wait3A_341 = tpu.memref_slice %arg15[%rem3A_329, %dma_wait3A_340] : memref<328x64xf32, #tpu.memory_space<vmem_shared>> -> memref<128x64xf32, #tpu.memory_space<vmem_shared>>
          %dma_wait3A_342 = arith.constant 0 : i32
          %dma_wait3A_343 = tpu.memref_slice %arg15[%rem3A_329, %dma_wait3A_342] : memref<328x64xf32, #tpu.memory_space<vmem_shared>> -> memref<128x64xf32, #tpu.memory_space<vmem_shared>>
          tpu.wait_dma2 semaphore(%run_scoped3A : memref<!tpu.dma_semaphore, #tpu.memory_space<semaphore_mem>>) src(%dma_wait3A_343 : memref<128x64xf32, #tpu.memory_space<vmem_shared>>) dst(%arg11 : memref<128x64xf32, #tpu.memory_space<vmem>>)
          tpu.yield
        }) : () -> ()
        %dma_start3A_330 = arith.constant 0 : i32
        %dma_start3A_331 = tpu.memref_slice %arg6[%sub3A_325, %dma_start3A_330] : memref<200x128xi32, #tpu.memory_space<vmem>> -> memref<1x128xi32, #tpu.memory_space<vmem>>
        %dma_start3A_332 = tpu.memref_squeeze %dma_start3A_331 : memref<1x128xi32, #tpu.memory_space<vmem>> -> memref<128xi32, #tpu.memory_space<vmem>>
        %dma_start3A_333 = arith.constant 0 : i32
        %dma_start3A_334 = arith.constant 0 : i32
        %dma_start3A_335 = tpu.memref_slice %arg3[%dma_start3A_333, %dma_start3A_334] : memref<1000000x64xf32, #tpu.memory_space<hbm>> -> memref<1000000x64xf32, #tpu.memory_space<hbm>>
        tpu.enqueue_indirect_dma source(%dma_start3A_335 : memref<1000000x64xf32, #tpu.memory_space<hbm>>) target(%arg11 : memref<128x64xf32, #tpu.memory_space<vmem>>) offsets(%dma_start3A_332 : memref<128xi32, #tpu.memory_space<vmem>>) semaphore(%arg20 : memref<!tpu.dma_semaphore, #tpu.memory_space<semaphore_mem>>) {add = true}
      } else {
      }
      %mul3A_266 = arith.constant 8 : i32
      %mul3A_267 = arith.muli %mul3A_266, %scan3A_111 : i32
      %add3A_268 = arith.constant 6 : i32
      %add3A_269 = arith.addi %mul3A_267, %add3A_268 : i32
      %dma_wait3A_270 = arith.constant 0 : i32
      %dma_wait3A_271 = tpu.memref_slice %arg6[%add3A_269, %dma_wait3A_270] : memref<200x128xi32, #tpu.memory_space<vmem>> -> memref<1x128xi32, #tpu.memory_space<vmem>>
      %dma_wait3A_272 = tpu.memref_squeeze %dma_wait3A_271 : memref<1x128xi32, #tpu.memory_space<vmem>> -> memref<128xi32, #tpu.memory_space<vmem>>
      %dma_wait3A_273 = arith.constant 0 : i32
      %dma_wait3A_274 = arith.constant 0 : i32
      %dma_wait3A_275 = tpu.memref_slice %arg3[%dma_wait3A_273, %dma_wait3A_274] : memref<1000000x64xf32, #tpu.memory_space<hbm>> -> memref<1000000x64xf32, #tpu.memory_space<hbm>>
      tpu.wait_indirect_dma semaphore(%arg22 : memref<!tpu.dma_semaphore, #tpu.memory_space<semaphore_mem>>) src(%dma_wait3A_275 : memref<1000000x64xf32, #tpu.memory_space<hbm>>) dst(%arg13 : memref<128x64xf32, #tpu.memory_space<vmem>>)
      %mul3A_276 = arith.constant 128 : i32
      %mul3A_277 = arith.muli %add3A_269, %mul3A_276 : i32
      %add3A_278 = arith.addi %mul3A_2, %mul3A_277 : i32
      %dma_start3A_279 = arith.constant 0 : i32
      %dma_start3A_280 = tpu.memref_slice %arg5[%add3A_278, %dma_start3A_279] : memref<819200x64xf32, #tpu.memory_space<hbm>> -> memref<128x64xf32, #tpu.memory_space<hbm>>
      %dma_start3A_281 = arith.constant 0 : i32
      %dma_start3A_282 = tpu.memref_slice %arg5[%add3A_278, %dma_start3A_281] : memref<819200x64xf32, #tpu.memory_space<hbm>> -> memref<128x64xf32, #tpu.memory_space<hbm>>
      tpu.enqueue_dma source(%arg13 : memref<128x64xf32, #tpu.memory_space<vmem>>) target(%dma_start3A_282 : memref<128x64xf32, #tpu.memory_space<hbm>>) target_semaphore(%arg30 : memref<!tpu.dma_semaphore, #tpu.memory_space<semaphore_mem>>)
      %add3A_283 = arith.constant 8 : i32
      %add3A_284 = arith.addi %add3A_269, %add3A_283 : i32
      %sub3A_285 = arith.constant 1 : i32
      %sub3A_286 = arith.subi %add3A_284, %sub3A_285 : i32
      %lt3A_287 = arith.constant 200 : i32
      %lt3A_288 = arith.cmpi slt, %sub3A_286, %lt3A_287 : i32
      %convert_element_type3A_289 = arith.extui %lt3A_288 : i1 to i32
      %cond3A_290 = arith.constant 0 : i32
      %cond3A_291 = arith.cmpi ne, %convert_element_type3A_289, %cond3A_290 : i32
      scf.if %cond3A_291 {
        %ge3A = arith.constant 1 : i32
        %ge3A_318 = arith.cmpi sge, %add3A_269, %ge3A : i32
        %convert_element_type3A_319 = arith.extui %ge3A_318 : i1 to i32
        %cond3A_320 = arith.constant 0 : i32
        %cond3A_321 = arith.cmpi ne, %convert_element_type3A_319, %cond3A_320 : i32
        scf.if %cond3A_321 {
          %dma_wait3A_336 = arith.constant 0 : i32
          %dma_wait3A_337 = tpu.memref_slice %arg5[%mul3A_2, %dma_wait3A_336] : memref<819200x64xf32, #tpu.memory_space<hbm>> -> memref<128x64xf32, #tpu.memory_space<hbm>>
          %dma_wait3A_338 = arith.constant 0 : i32
          %dma_wait3A_339 = tpu.memref_slice %arg5[%mul3A_2, %dma_wait3A_338] : memref<819200x64xf32, #tpu.memory_space<hbm>> -> memref<128x64xf32, #tpu.memory_space<hbm>>
          tpu.wait_dma2 semaphore(%arg29 : memref<!tpu.dma_semaphore, #tpu.memory_space<semaphore_mem>>) src(%arg12 : memref<128x64xf32, #tpu.memory_space<vmem>>) dst(%dma_wait3A_339 : memref<128x64xf32, #tpu.memory_space<hbm>>)
        } else {
        }
        %add3A_322 = arith.constant 8 : i32
        %add3A_323 = arith.addi %add3A_269, %add3A_322 : i32
        %sub3A_324 = arith.constant 1 : i32
        %sub3A_325 = arith.subi %add3A_323, %sub3A_324 : i32
        %mul3A_326 = arith.constant 128 : i32
        %mul3A_327 = arith.muli %sub3A_325, %mul3A_326 : i32
        %rem3A_328 = arith.constant 200 : i32
        %rem3A_329 = arith.remsi %mul3A_327, %rem3A_328 : i32
        "tpu.region"() ({
          %run_scoped3A = tpu.sem_alloc : memref<!tpu.dma_semaphore, #tpu.memory_space<semaphore_mem>>
          %dma_start3A_336 = arith.constant 0 : i32
          %dma_start3A_337 = tpu.memref_slice %arg15[%rem3A_329, %dma_start3A_336] : memref<328x64xf32, #tpu.memory_space<vmem_shared>> -> memref<128x64xf32, #tpu.memory_space<vmem_shared>>
          %dma_start3A_338 = arith.constant 0 : i32
          %dma_start3A_339 = tpu.memref_slice %arg15[%rem3A_329, %dma_start3A_338] : memref<328x64xf32, #tpu.memory_space<vmem_shared>> -> memref<128x64xf32, #tpu.memory_space<vmem_shared>>
          tpu.enqueue_dma source(%dma_start3A_339 : memref<128x64xf32, #tpu.memory_space<vmem_shared>>) target(%arg12 : memref<128x64xf32, #tpu.memory_space<vmem>>) target_semaphore(%run_scoped3A : memref<!tpu.dma_semaphore, #tpu.memory_space<semaphore_mem>>)
          %dma_wait3A_340 = arith.constant 0 : i32
          %dma_wait3A_341 = tpu.memref_slice %arg15[%rem3A_329, %dma_wait3A_340] : memref<328x64xf32, #tpu.memory_space<vmem_shared>> -> memref<128x64xf32, #tpu.memory_space<vmem_shared>>
          %dma_wait3A_342 = arith.constant 0 : i32
          %dma_wait3A_343 = tpu.memref_slice %arg15[%rem3A_329, %dma_wait3A_342] : memref<328x64xf32, #tpu.memory_space<vmem_shared>> -> memref<128x64xf32, #tpu.memory_space<vmem_shared>>
          tpu.wait_dma2 semaphore(%run_scoped3A : memref<!tpu.dma_semaphore, #tpu.memory_space<semaphore_mem>>) src(%dma_wait3A_343 : memref<128x64xf32, #tpu.memory_space<vmem_shared>>) dst(%arg12 : memref<128x64xf32, #tpu.memory_space<vmem>>)
          tpu.yield
        }) : () -> ()
        %dma_start3A_330 = arith.constant 0 : i32
        %dma_start3A_331 = tpu.memref_slice %arg6[%sub3A_325, %dma_start3A_330] : memref<200x128xi32, #tpu.memory_space<vmem>> -> memref<1x128xi32, #tpu.memory_space<vmem>>
        %dma_start3A_332 = tpu.memref_squeeze %dma_start3A_331 : memref<1x128xi32, #tpu.memory_space<vmem>> -> memref<128xi32, #tpu.memory_space<vmem>>
        %dma_start3A_333 = arith.constant 0 : i32
        %dma_start3A_334 = arith.constant 0 : i32
        %dma_start3A_335 = tpu.memref_slice %arg3[%dma_start3A_333, %dma_start3A_334] : memref<1000000x64xf32, #tpu.memory_space<hbm>> -> memref<1000000x64xf32, #tpu.memory_space<hbm>>
        tpu.enqueue_indirect_dma source(%dma_start3A_335 : memref<1000000x64xf32, #tpu.memory_space<hbm>>) target(%arg12 : memref<128x64xf32, #tpu.memory_space<vmem>>) offsets(%dma_start3A_332 : memref<128xi32, #tpu.memory_space<vmem>>) semaphore(%arg21 : memref<!tpu.dma_semaphore, #tpu.memory_space<semaphore_mem>>) {add = true}
      } else {
      }
      %mul3A_292 = arith.constant 8 : i32
      %mul3A_293 = arith.muli %mul3A_292, %scan3A_111 : i32
      %add3A_294 = arith.constant 7 : i32
      %add3A_295 = arith.addi %mul3A_293, %add3A_294 : i32
      %dma_wait3A_296 = arith.constant 0 : i32
      %dma_wait3A_297 = tpu.memref_slice %arg6[%add3A_295, %dma_wait3A_296] : memref<200x128xi32, #tpu.memory_space<vmem>> -> memref<1x128xi32, #tpu.memory_space<vmem>>
      %dma_wait3A_298 = tpu.memref_squeeze %dma_wait3A_297 : memref<1x128xi32, #tpu.memory_space<vmem>> -> memref<128xi32, #tpu.memory_space<vmem>>
      %dma_wait3A_299 = arith.constant 0 : i32
      %dma_wait3A_300 = arith.constant 0 : i32
      %dma_wait3A_301 = tpu.memref_slice %arg3[%dma_wait3A_299, %dma_wait3A_300] : memref<1000000x64xf32, #tpu.memory_space<hbm>> -> memref<1000000x64xf32, #tpu.memory_space<hbm>>
      tpu.wait_indirect_dma semaphore(%arg23 : memref<!tpu.dma_semaphore, #tpu.memory_space<semaphore_mem>>) src(%dma_wait3A_301 : memref<1000000x64xf32, #tpu.memory_space<hbm>>) dst(%arg14 : memref<128x64xf32, #tpu.memory_space<vmem>>)
      %mul3A_302 = arith.constant 128 : i32
      %mul3A_303 = arith.muli %add3A_295, %mul3A_302 : i32
      %add3A_304 = arith.addi %mul3A_2, %mul3A_303 : i32
      %dma_start3A_305 = arith.constant 0 : i32
      %dma_start3A_306 = tpu.memref_slice %arg5[%add3A_304, %dma_start3A_305] : memref<819200x64xf32, #tpu.memory_space<hbm>> -> memref<128x64xf32, #tpu.memory_space<hbm>>
      %dma_start3A_307 = arith.constant 0 : i32
      %dma_start3A_308 = tpu.memref_slice %arg5[%add3A_304, %dma_start3A_307] : memref<819200x64xf32, #tpu.memory_space<hbm>> -> memref<128x64xf32, #tpu.memory_space<hbm>>
      tpu.enqueue_dma source(%arg14 : memref<128x64xf32, #tpu.memory_space<vmem>>) target(%dma_start3A_308 : memref<128x64xf32, #tpu.memory_space<hbm>>) target_semaphore(%arg31 : memref<!tpu.dma_semaphore, #tpu.memory_space<semaphore_mem>>)
      %add3A_309 = arith.constant 8 : i32
      %add3A_310 = arith.addi %add3A_295, %add3A_309 : i32
      %sub3A_311 = arith.constant 1 : i32
      %sub3A_312 = arith.subi %add3A_310, %sub3A_311 : i32
      %lt3A_313 = arith.constant 200 : i32
      %lt3A_314 = arith.cmpi slt, %sub3A_312, %lt3A_313 : i32
      %convert_element_type3A_315 = arith.extui %lt3A_314 : i1 to i32
      %cond3A_316 = arith.constant 0 : i32
      %cond3A_317 = arith.cmpi ne, %convert_element_type3A_315, %cond3A_316 : i32
      scf.if %cond3A_317 {
        %ge3A = arith.constant 1 : i32
        %ge3A_318 = arith.cmpi sge, %add3A_295, %ge3A : i32
        %convert_element_type3A_319 = arith.extui %ge3A_318 : i1 to i32
        %cond3A_320 = arith.constant 0 : i32
        %cond3A_321 = arith.cmpi ne, %convert_element_type3A_319, %cond3A_320 : i32
        scf.if %cond3A_321 {
          %dma_wait3A_336 = arith.constant 0 : i32
          %dma_wait3A_337 = tpu.memref_slice %arg5[%mul3A_2, %dma_wait3A_336] : memref<819200x64xf32, #tpu.memory_space<hbm>> -> memref<128x64xf32, #tpu.memory_space<hbm>>
          %dma_wait3A_338 = arith.constant 0 : i32
          %dma_wait3A_339 = tpu.memref_slice %arg5[%mul3A_2, %dma_wait3A_338] : memref<819200x64xf32, #tpu.memory_space<hbm>> -> memref<128x64xf32, #tpu.memory_space<hbm>>
          tpu.wait_dma2 semaphore(%arg30 : memref<!tpu.dma_semaphore, #tpu.memory_space<semaphore_mem>>) src(%arg13 : memref<128x64xf32, #tpu.memory_space<vmem>>) dst(%dma_wait3A_339 : memref<128x64xf32, #tpu.memory_space<hbm>>)
        } else {
        }
        %add3A_322 = arith.constant 8 : i32
        %add3A_323 = arith.addi %add3A_295, %add3A_322 : i32
        %sub3A_324 = arith.constant 1 : i32
        %sub3A_325 = arith.subi %add3A_323, %sub3A_324 : i32
        %mul3A_326 = arith.constant 128 : i32
        %mul3A_327 = arith.muli %sub3A_325, %mul3A_326 : i32
        %rem3A_328 = arith.constant 200 : i32
        %rem3A_329 = arith.remsi %mul3A_327, %rem3A_328 : i32
        "tpu.region"() ({
          %run_scoped3A = tpu.sem_alloc : memref<!tpu.dma_semaphore, #tpu.memory_space<semaphore_mem>>
          %dma_start3A_336 = arith.constant 0 : i32
          %dma_start3A_337 = tpu.memref_slice %arg15[%rem3A_329, %dma_start3A_336] : memref<328x64xf32, #tpu.memory_space<vmem_shared>> -> memref<128x64xf32, #tpu.memory_space<vmem_shared>>
          %dma_start3A_338 = arith.constant 0 : i32
          %dma_start3A_339 = tpu.memref_slice %arg15[%rem3A_329, %dma_start3A_338] : memref<328x64xf32, #tpu.memory_space<vmem_shared>> -> memref<128x64xf32, #tpu.memory_space<vmem_shared>>
          tpu.enqueue_dma source(%dma_start3A_339 : memref<128x64xf32, #tpu.memory_space<vmem_shared>>) target(%arg13 : memref<128x64xf32, #tpu.memory_space<vmem>>) target_semaphore(%run_scoped3A : memref<!tpu.dma_semaphore, #tpu.memory_space<semaphore_mem>>)
          %dma_wait3A_340 = arith.constant 0 : i32
          %dma_wait3A_341 = tpu.memref_slice %arg15[%rem3A_329, %dma_wait3A_340] : memref<328x64xf32, #tpu.memory_space<vmem_shared>> -> memref<128x64xf32, #tpu.memory_space<vmem_shared>>
          %dma_wait3A_342 = arith.constant 0 : i32
          %dma_wait3A_343 = tpu.memref_slice %arg15[%rem3A_329, %dma_wait3A_342] : memref<328x64xf32, #tpu.memory_space<vmem_shared>> -> memref<128x64xf32, #tpu.memory_space<vmem_shared>>
          tpu.wait_dma2 semaphore(%run_scoped3A : memref<!tpu.dma_semaphore, #tpu.memory_space<semaphore_mem>>) src(%dma_wait3A_343 : memref<128x64xf32, #tpu.memory_space<vmem_shared>>) dst(%arg13 : memref<128x64xf32, #tpu.memory_space<vmem>>)
          tpu.yield
        }) : () -> ()
        %dma_start3A_330 = arith.constant 0 : i32
        %dma_start3A_331 = tpu.memref_slice %arg6[%sub3A_325, %dma_start3A_330] : memref<200x128xi32, #tpu.memory_space<vmem>> -> memref<1x128xi32, #tpu.memory_space<vmem>>
        %dma_start3A_332 = tpu.memref_squeeze %dma_start3A_331 : memref<1x128xi32, #tpu.memory_space<vmem>> -> memref<128xi32, #tpu.memory_space<vmem>>
        %dma_start3A_333 = arith.constant 0 : i32
        %dma_start3A_334 = arith.constant 0 : i32
        %dma_start3A_335 = tpu.memref_slice %arg3[%dma_start3A_333, %dma_start3A_334] : memref<1000000x64xf32, #tpu.memory_space<hbm>> -> memref<1000000x64xf32, #tpu.memory_space<hbm>>
        tpu.enqueue_indirect_dma source(%dma_start3A_335 : memref<1000000x64xf32, #tpu.memory_space<hbm>>) target(%arg13 : memref<128x64xf32, #tpu.memory_space<vmem>>) offsets(%dma_start3A_332 : memref<128xi32, #tpu.memory_space<vmem>>) semaphore(%arg22 : memref<!tpu.dma_semaphore, #tpu.memory_space<semaphore_mem>>) {add = true}
      } else {
      }
    }
    %scan3A_79 = arith.constant 25 : i32
    %dma_wait3A = arith.constant 0 : i32
    %dma_wait3A_80 = tpu.memref_slice %arg5[%mul3A_2, %dma_wait3A] : memref<819200x64xf32, #tpu.memory_space<hbm>> -> memref<128x64xf32, #tpu.memory_space<hbm>>
    %dma_wait3A_81 = arith.constant 0 : i32
    %dma_wait3A_82 = tpu.memref_slice %arg5[%mul3A_2, %dma_wait3A_81] : memref<819200x64xf32, #tpu.memory_space<hbm>> -> memref<128x64xf32, #tpu.memory_space<hbm>>
    tpu.wait_dma2 semaphore(%arg24 : memref<!tpu.dma_semaphore, #tpu.memory_space<semaphore_mem>>) src(%arg7 : memref<128x64xf32, #tpu.memory_space<vmem>>) dst(%dma_wait3A_82 : memref<128x64xf32, #tpu.memory_space<hbm>>)
    %dma_wait3A_83 = arith.constant 0 : i32
    %dma_wait3A_84 = tpu.memref_slice %arg5[%mul3A_2, %dma_wait3A_83] : memref<819200x64xf32, #tpu.memory_space<hbm>> -> memref<128x64xf32, #tpu.memory_space<hbm>>
    %dma_wait3A_85 = arith.constant 0 : i32
    %dma_wait3A_86 = tpu.memref_slice %arg5[%mul3A_2, %dma_wait3A_85] : memref<819200x64xf32, #tpu.memory_space<hbm>> -> memref<128x64xf32, #tpu.memory_space<hbm>>
    tpu.wait_dma2 semaphore(%arg25 : memref<!tpu.dma_semaphore, #tpu.memory_space<semaphore_mem>>) src(%arg8 : memref<128x64xf32, #tpu.memory_space<vmem>>) dst(%dma_wait3A_86 : memref<128x64xf32, #tpu.memory_space<hbm>>)
    %dma_wait3A_87 = arith.constant 0 : i32
    %dma_wait3A_88 = tpu.memref_slice %arg5[%mul3A_2, %dma_wait3A_87] : memref<819200x64xf32, #tpu.memory_space<hbm>> -> memref<128x64xf32, #tpu.memory_space<hbm>>
    %dma_wait3A_89 = arith.constant 0 : i32
    %dma_wait3A_90 = tpu.memref_slice %arg5[%mul3A_2, %dma_wait3A_89] : memref<819200x64xf32, #tpu.memory_space<hbm>> -> memref<128x64xf32, #tpu.memory_space<hbm>>
    tpu.wait_dma2 semaphore(%arg26 : memref<!tpu.dma_semaphore, #tpu.memory_space<semaphore_mem>>) src(%arg9 : memref<128x64xf32, #tpu.memory_space<vmem>>) dst(%dma_wait3A_90 : memref<128x64xf32, #tpu.memory_space<hbm>>)
    %dma_wait3A_91 = arith.constant 0 : i32
    %dma_wait3A_92 = tpu.memref_slice %arg5[%mul3A_2, %dma_wait3A_91] : memref<819200x64xf32, #tpu.memory_space<hbm>> -> memref<128x64xf32, #tpu.memory_space<hbm>>
    %dma_wait3A_93 = arith.constant 0 : i32
    %dma_wait3A_94 = tpu.memref_slice %arg5[%mul3A_2, %dma_wait3A_93] : memref<819200x64xf32, #tpu.memory_space<hbm>> -> memref<128x64xf32, #tpu.memory_space<hbm>>
    tpu.wait_dma2 semaphore(%arg27 : memref<!tpu.dma_semaphore, #tpu.memory_space<semaphore_mem>>) src(%arg10 : memref<128x64xf32, #tpu.memory_space<vmem>>) dst(%dma_wait3A_94 : memref<128x64xf32, #tpu.memory_space<hbm>>)
    %dma_wait3A_95 = arith.constant 0 : i32
    %dma_wait3A_96 = tpu.memref_slice %arg5[%mul3A_2, %dma_wait3A_95] : memref<819200x64xf32, #tpu.memory_space<hbm>> -> memref<128x64xf32, #tpu.memory_space<hbm>>
    %dma_wait3A_97 = arith.constant 0 : i32
    %dma_wait3A_98 = tpu.memref_slice %arg5[%mul3A_2, %dma_wait3A_97] : memref<819200x64xf32, #tpu.memory_space<hbm>> -> memref<128x64xf32, #tpu.memory_space<hbm>>
    tpu.wait_dma2 semaphore(%arg28 : memref<!tpu.dma_semaphore, #tpu.memory_space<semaphore_mem>>) src(%arg11 : memref<128x64xf32, #tpu.memory_space<vmem>>) dst(%dma_wait3A_98 : memref<128x64xf32, #tpu.memory_space<hbm>>)
    %dma_wait3A_99 = arith.constant 0 : i32
    %dma_wait3A_100 = tpu.memref_slice %arg5[%mul3A_2, %dma_wait3A_99] : memref<819200x64xf32, #tpu.memory_space<hbm>> -> memref<128x64xf32, #tpu.memory_space<hbm>>
    %dma_wait3A_101 = arith.constant 0 : i32
    %dma_wait3A_102 = tpu.memref_slice %arg5[%mul3A_2, %dma_wait3A_101] : memref<819200x64xf32, #tpu.memory_space<hbm>> -> memref<128x64xf32, #tpu.memory_space<hbm>>
    tpu.wait_dma2 semaphore(%arg29 : memref<!tpu.dma_semaphore, #tpu.memory_space<semaphore_mem>>) src(%arg12 : memref<128x64xf32, #tpu.memory_space<vmem>>) dst(%dma_wait3A_102 : memref<128x64xf32, #tpu.memory_space<hbm>>)
    %dma_wait3A_103 = arith.constant 0 : i32
    %dma_wait3A_104 = tpu.memref_slice %arg5[%mul3A_2, %dma_wait3A_103] : memref<819200x64xf32, #tpu.memory_space<hbm>> -> memref<128x64xf32, #tpu.memory_space<hbm>>
    %dma_wait3A_105 = arith.constant 0 : i32
    %dma_wait3A_106 = tpu.memref_slice %arg5[%mul3A_2, %dma_wait3A_105] : memref<819200x64xf32, #tpu.memory_space<hbm>> -> memref<128x64xf32, #tpu.memory_space<hbm>>
    tpu.wait_dma2 semaphore(%arg30 : memref<!tpu.dma_semaphore, #tpu.memory_space<semaphore_mem>>) src(%arg13 : memref<128x64xf32, #tpu.memory_space<vmem>>) dst(%dma_wait3A_106 : memref<128x64xf32, #tpu.memory_space<hbm>>)
    %dma_wait3A_107 = arith.constant 0 : i32
    %dma_wait3A_108 = tpu.memref_slice %arg5[%mul3A_2, %dma_wait3A_107] : memref<819200x64xf32, #tpu.memory_space<hbm>> -> memref<128x64xf32, #tpu.memory_space<hbm>>
    %dma_wait3A_109 = arith.constant 0 : i32
    %dma_wait3A_110 = tpu.memref_slice %arg5[%mul3A_2, %dma_wait3A_109] : memref<819200x64xf32, #tpu.memory_space<hbm>> -> memref<128x64xf32, #tpu.memory_space<hbm>>
    tpu.wait_dma2 semaphore(%arg31 : memref<!tpu.dma_semaphore, #tpu.memory_space<semaphore_mem>>) src(%arg14 : memref<128x64xf32, #tpu.memory_space<vmem>>) dst(%dma_wait3A_110 : memref<128x64xf32, #tpu.memory_space<hbm>>)
    return
  }
}

</mosaic_0001>

<sc_bundles>
// kernel: kernel.3.cloned.1.call-start
scs
__scs_entry_jumppad:
0x0: {  	(pc) =	sbr.rel $0x88, $3  }
0x1: {  	(tag) =	ssettag $0x0;
	lr =	simm.s32 $0x1  }
0x2: {  	[smem:$0x3F9E] =	sst lr;
	_ =	strace $0xD0000000  }
0x3: {  	_ = 	snop  }
0x4: {  	_ = 	snop  }
0x5: {  	_ = 	snop  }
0x6: {  	_ = 	snop  }
0x7: {  	_ = 	snop  }
__scs_overlays_trampoline_lowered:
0x8: {  	[smem:$0x3FAD] =	sst s0  }
0x9: {  	[smem:$0x3FAE] =	sst s1  }
0xa: {  	[smem:$0x3FAF] =	sst s2  }
0xb: {  	[smem:$0x3FB0] =	sst s3  }
0xc: {  	[smem:$0x3FB1] =	sst s4  }
0xd: {  	[smem:$0x3FB2] =	sst s5  }
0xe: {  	[smem:$0x3FB3] =	sst s6  }
0xf: {  	[smem:$0x3FB4] =	sst s7  }
0x10: {  	[smem:$0x3FB5] =	sst s8  }
0x11: {  	[smem:$0x3FB6] =	sst s9;
	s0 =	simm.s32 @!p0 $0x0  }
0x12: {  	s1 =	sld [smem:$0x3F9C];
	s0 =	simm.s32 @p0 $0x1  }
0x13: {  	[smem:$0x3FB7] =	sst s0;
	s0 =	simm.s32 @!p1 $0x0  }
0x14: {  	s2 =	sld [smem:$0x3F9B];
	s0 =	simm.s32 @p1 $0x1  }
0x15: {  	[smem:$0x3FB8] =	sst s0;
	s0 =	simm.s32 @!p2 $0x0  }
0x16: {  	s3 =	sld [smem:$0x3FDB];
	s0 =	simm.s32 @p2 $0x1  }
0x17: {  	s4 =	simm.s32 $0x1BF5;
	[smem:$0x3FBA] =	sst s0  }
0x18: {  	s0 =	sld [smem:$0x3F9D];
	_ =	swait.ge [sflag:s4], $0x0  }
0x19: {  	s7 =	sld [smem:$0x3F9E]  }
0x1a: {  	s8 =	sadd.s32 $0xFFFFE003, lr  }
0x1b: {  	s9 =	sadd.s32 $0xFFFFFEF7, lr;
	s5 =	simm.s32 $0xFFFFFFFF;
	p2 =	slt.u32 s8, $0xFFFFF086  }
0x1c: {  	p1 =	slt.u32 s9, $0xF7A;
	s5 =	simm.s32 @!p2 $0x0  }
0x1d: {  	s5 =	simm.s32 @p1 $0x1;
	p0 =	seq.s32 s7, s2  }
0x1e: {  	s7 =	smul.u32 @!p0 $0xF7A, s2;
	p2 =	seq.s32 @!p0 s5, $0x0  }
0x1f: {  	s9 =	smul.u32 $0xF7A, s1;
	s8 =	simm.s32 @!p0 $0x1BF5;
	p2 =	por !p2, p0  }
0x20: {  	[sflag:s8] =	ssyncset.s32 @!p0 $0xFFFFF086;
	s6 =	sadd.s32 @!p0 s3, s7;
	s7 =	simm.s32 @!p0 $0x108  }
0x21: {  	s3 =	sadd.s32 s3, s9;
	s6 =	sadd.s32 @!p0 $0x88, s6;
	s7 =	simm.s32 @p2 $0x1082  }
0x22: {  	[simem:s7], [sflag:s8] =	dma.local @!p0 [hbm:s6], $0xF7A  }
0x23: {  	s9 =	sor.u32 $0xD0000000, s2;
	s6 =	simm.s32 $0x108;
	_ =	swait.ge @!p0 [sflag:s8], $0x0  }
0x24: {  	s3 =	sadd.s32 $0x88, s3;
	s6 =	simm.s32 @!p1 $0x1082;
	[sflag:s4] =	ssyncset.s32 $0xFFFFF086  }
0x25: {  	[simem:s6], [sflag:s4] =	dma.local [hbm:s3], $0xF7A  }
0x26: {  	[smem:$0x3F9E] =	sst s1;
	(tag) =	ssettag s2;
	_ =	strace s9  }
0x27: {  	s1 =	sld [smem:$0x3FAE]  }
0x28: {  	s2 =	sld [smem:$0x3FAF]  }
0x29: {  	s4 =	sld [smem:$0x3FB1]  }
0x2a: {  	p0 =	seq.s32 s5, $0x0;
	s5 =	sld [smem:$0x3FB2]  }
0x2b: {  	s6 =	sld [smem:$0x3FB3]  }
0x2c: {  	s7 =	sld [smem:$0x3FB4]  }
0x2d: {  	s3 =	simm.s32 $0x108;
	s8 =	sld [smem:$0x3FB5]  }
0x2e: {  	s3 =	simm.s32 @!p0 $0x1082;
	s9 =	sld [smem:$0x3FB6]  }
0x2f: {  	lr =	sadd.s32 s0, s3;
	s0 =	sld [smem:$0x3FAD]  }
0x30: {  	s3 =	sld [smem:$0x3FB0]  }
0x31: {  	[smem:$0x3FB9] =	sst s10  }
0x32: {  	s10 =	sld [smem:$0x3FB7];
	_ =	sdelay $0x3  }
0x33: {  	p0 =	seq.s32 s10, $0x1;
	s10 =	sld [smem:$0x3FB9];
	_ =	sdelay $0x3  }
0x34: {  	[smem:$0x3FB9] =	sst s10  }
0x35: {  	s10 =	sld [smem:$0x3FB8];
	_ =	sdelay $0x3  }
0x36: {  	p1 =	seq.s32 s10, $0x1;
	s10 =	sld [smem:$0x3FB9];
	_ =	sdelay $0x3  }
0x37: {  	[smem:$0x3FB9] =	sst s10  }
0x38: {  	s10 =	sld [smem:$0x3FBA]  }
0x39: {  	_ = 	snop;
	(pc) =	sbr.ind lr, $3  }
0x3a: {  	_ = 	snop  }
0x3b: {  	_ = 	snop  }
0x3c: {  	p2 =	seq.s32 s10, $0x1;
	s10 =	sld [smem:$0x3FB9]  }
0x3d: {  	_ =	shalt  }
0x3e: {  	_ =	shalt  }
0x3f: {  	_ =	shalt  }
0x40: {  	_ =	shalt  }
0x41: {  	_ =	shalt  }
0x42: {  	_ =	shalt  }
0x43: {  	_ =	shalt  }
0x44: {  	_ =	shalt  }
0x45: {  	_ =	shalt  }
0x46: {  	_ =	shalt  }
0x47: {  	_ =	shalt  }
0x48: {  	_ =	shalt  }
0x49: {  	_ =	shalt  }
0x4a: {  	_ =	shalt  }
0x4b: {  	_ =	shalt  }
0x4c: {  	_ =	shalt  }
0x4d: {  	_ =	shalt  }
0x4e: {  	_ =	shalt  }
0x4f: {  	_ =	shalt  }
0x50: {  	_ =	shalt  }
0x51: {  	_ =	shalt  }
0x52: {  	_ =	shalt  }
0x53: {  	_ =	shalt  }
0x54: {  	_ =	shalt  }
0x55: {  	_ =	shalt  }
0x56: {  	_ =	shalt  }
0x57: {  	_ =	shalt  }
0x58: {  	_ =	shalt  }
0x59: {  	_ =	shalt  }
0x5a: {  	_ =	shalt  }
0x5b: {  	_ =	shalt  }
0x5c: {  	_ =	shalt  }
0x5d: {  	_ =	shalt  }
0x5e: {  	_ =	shalt  }
0x5f: {  	_ =	shalt  }
0x60: {  	_ =	shalt  }
0x61: {  	_ =	shalt  }
0x62: {  	_ =	shalt  }
0x63: {  	_ =	shalt  }
0x64: {  	_ =	shalt  }
0x65: {  	_ =	shalt  }
0x66: {  	_ =	shalt  }
0x67: {  	_ =	shalt  }
0x68: {  	_ =	shalt  }
0x69: {  	_ =	shalt  }
0x6a: {  	_ =	shalt  }
0x6b: {  	_ =	shalt  }
0x6c: {  	_ =	shalt  }
0x6d: {  	_ =	shalt  }
0x6e: {  	_ =	shalt  }
0x6f: {  	_ =	shalt  }
0x70: {  	_ =	shalt  }
0x71: {  	_ =	shalt  }
0x72: {  	_ =	shalt  }
0x73: {  	_ =	shalt  }
0x74: {  	_ =	shalt  }
0x75: {  	_ =	shalt  }
0x76: {  	_ =	shalt  }
0x77: {  	_ =	shalt  }
0x78: {  	_ =	shalt  }
0x79: {  	_ =	shalt  }
0x7a: {  	_ =	shalt  }
0x7b: {  	_ =	shalt  }
0x7c: {  	_ =	shalt  }
0x7d: {  	_ =	shalt  }
0x7e: {  	_ =	shalt  }
0x7f: {  	_ =	shalt  }
0x80: {  	_ =	shalt  }
0x81: {  	_ =	shalt  }
0x82: {  	_ =	shalt  }
0x83: {  	_ =	shalt  }
0x84: {  	_ =	shalt  }
0x85: {  	_ =	shalt  }
0x86: {  	_ =	shalt  }
0x87: {  	_ =	shalt  }
.Lfunc_end0:
.L_simem_size_0:
called_computation.1_lowered:
.L_overlay_start_0:
0x88: {  	s2 =	sld [smem:$0x3FD9]  }
0x89: {  	s3 =	sld [smem:$0x3FFE];
	_ =	sdelay $0x1  }
0x8a: {  	s1 =	srdreg.scid  }
0x8b: {  	s0 =	sand.u32 $0x1, s1  }
0x8c: {  	s17 =	sshll.u32 s0, $0xA;
	s2 =	sadd.s32 s3, s2  }
0x8d: {  	s2 =	sadd.s32 s2, s17  }
0x8e: {  	[smem:$0x3FC5] =	sst s2  }
0x8f: {  	_ = 	snop  }
0x90: {  	s2 =	sld [smem:$0x3FD0];
	(tm) =	ssettm $0x1  }
0x91: {  	s18 =	sld [smem:$0x3FFB];
	_ =	sdelay $0x3  }
0x92: {  	_ =	strace s18  }
0x93: {  	s3 =	sld [smem:$0x3FFC];
	_ =	sdelay $0x3  }
0x94: {  	_ =	strace s3  }
0x95: {  	s3 =	sld [smem:$0x3FFD];
	_ =	sdelay $0x3  }
0x96: {  	_ =	strace s3  }
0x97: {  	_ =	strace $0x8FFFFFFF  }
0x98: {  	s19 =	sld [smem:$0x3FDB];
	_ =	sdelay $0x1  }
0x99: {  	s4 =	simm.s32 $_scs_section_size  }
0x9a: {  	s5 =	simm.s32 $_size__tile_overlayer_lowered;
	s6 =	simm.s32 $_tile_overlayer_lowered  }
0x9b: {  	s22 =	simm.s32 $0x1BFF;
	s21 =	sshll.u32 s6, $0x1;
	s3 =	sadd.s32 s4, s19  }
0x9c: {  	s7 =	simm.s32 $0x0;
	s20 =	sshll.u32 s5, $0x1;
	s5 =	sadd.s32 s21, s3  }
0x9d: {  	[timem:s7], [sflag:s22] =	dma.local [hbm:s5], s20  }
0x9e: {  	_ =	swait.ge [sflag:s22], s20  }
0x9f: {  	s4 =	ssub.s32 $0x0, s20;
	[sflag:s22] =	ssyncset.done $0x0  }
0xa0: {  	[sflag:s22] =	ssyncadd.s32 s4;
	_ =	sdelay $0x1  }
0xa1: {  	s23 =	simm.s32 $0x1B8B  }
0xa2: {  	_ =	swait.ge [sflag:s23], $0x1  }
0xa3: {  	[sflag:s23] =	ssyncset.done $0x0  }
0xa4: {  	s25 =	simm.s32 $0x1B8E;
	s24 =	sld [smem:$0x3FFE];
	[sflag:s23] =	ssyncadd.s32 $0xFFFFFFFF  }
0xa5: {  	s26 =	simm.s32 $execute0_lowered;
	[smem:$0x3FD2] =	sst s25  }
0xa6: {  	s5 =	sshll.u32 s26, $0x1;
	_ =	strace $0x80000046;
	[dreg:$0x1] =	wrdreg $0xFFFFFFFF  }
0xa7: {  	s28 =	simm.s32 $_size_execute0_lowered;
	s3 =	sadd.s32 s3, s5;
	[dreg:$0x0] =	wrdreg $0x0  }
0xa8: {  	s5 =	sshll.u32 s28, $0x1;
	[dreg:$0x2] =	wrdreg s3  }
0xa9: {  	[dreg:$0x3] =	wrdreg s5  }
0xaa: {  	[dreg:$0x4] =	wrdreg $0xC0  }
0xab: {  	_ =	task [dreg:s7], $0x5FFFF  }
0xac: {  	[dreg:$0x1] =	wrdreg $0xFFFFFFFF  }
0xad: {  	[dreg:$0x0] =	wrdreg $0x60  }
0xae: {  	[dreg:$0x2] =	wrdreg s24  }
0xaf: {  	[dreg:$0x3] =	wrdreg s2  }
0xb0: {  	[dreg:$0x4] =	wrdreg $0x164000  }
0xb1: {  	[dreg:$0x5] =	wrdreg $0x9  }
0xb2: {  	_ =	task.clear_ibuf [dreg:s7], $0x6FFFF;
	_ =	strace $0x90000046  }
0xb3: {  	s29 =	simm.s32 $0x9;
	_ =	strace $0x80000048  }
0xb4: {  	_ =	swait.ge [sflag:s29], $0x1  }
0xb5: {  	[sflag:s29] =	ssyncadd.s32 $0xFFFFFFFF  }
0xb6: {  	_ =	strace $0x90000048  }
0xb7: {  	_ =	sfence  }
0xb8: {  	s30 =	sld [smem:$0x0];
	_ =	sdelay $0x2  }
0xb9: {  	s31 =	sshll.u32 s1, $0xD;
	s1 =	sshrl.u32 s1, $0x2  }
0xba: {  	s3 =	sand.u32 $0x4000, s31;
	s1 =	sadd.s32 s1, s30  }
0xbb: {  	s0 =	sor.u32 s3, s0;
	s1 =	sshll.u32 s1, $0x11  }
0xbc: {  	s0 =	sor.u32 s1, s0  }
0xbd: {  	s0 =	sadd.s32 $0x8F2B, s0  }
0xbe: {  	[sflag:s0] =	ssyncadd.remote.s32 $0x1  }
0xbf: {  	_ =	sfence.sel $0xFFFF  }
0xc0: {  	[dreg:$0x0] =	wrdreg $0xFFFFFFFF;
	(pc) =	sbr.abs _section_cstart, $3  }
0xc1: {  	[dreg:$0x1] =	wrdreg $0xFFFFFFFF  }
0xc2: {  	_ =	task.clear_ibuf [dreg:s7], $0x2FFFF;
	_ =	strace $0x9FFFFFFF  }
0xc3: {  	(tm) =	ssettm $0x7FFFFFFF  }
tec
execute0_lowered:
.L_overlay_start_1:
0x0: {  	(tag) =	ssettag $0x1  }
0x1: {  	s0 =	rddreg [dreg:$0x0]  }
0x2: {  	s1 =	srdreg.scid;
	s9 =	rddreg [dreg:$0x1]  }
0x3: {  	s5 =	stileid.u32;
	s2 =	rddreg [dreg:$0x2]  }
0x4: {  	s28 =	simm.s32 $0x80;
	s10 =	simm.s32 $0x6;
	s30 =	simm.s32 $0xF  }
0x5: {  	s1 =	sand.u32 $0x1, s1;
	s3 =	sshll.u32 s5, $0x1;
	s12 =	sadd.s32 $0x2000, s2  }
0x6: {  	s13 =	sadd.s32 $0xE00, s2;
	s6 =	sor.u32 s1, s3;
	s3 =	simm.s32 $0x0  }
0x7: {  	s14 =	smul.u32 $0x320000, s5;
	s15 =	sadd.s32 $0x2E00, s2;
	[smem:$0x7FF] =	sst s3  }
0x8: {  	s16 =	sadd.s32 $0x1C00, s2;
	_ =	strace $0x80000047;
	[dreg:$0x6] =	wrdreg s12  }
0x9: {  	s17 =	sadd.s32 $0xA00, s2;
	s18 =	sadd.s32 $0x2A00, s2;
	[dreg:$0x7] =	wrdreg s13  }
0xa: {  	p0 =	sne.s32 s5, $0x0;
	s5 =	simm.s32 $0x12400;
	[dreg:$0x8] =	wrdreg s15  }
0xb: {  	s8 =	ssub.s32 $0x2, s1;
	s1 =	smul.u32 $0x190000, s1;
	[dreg:$0x9] =	wrdreg s16  }
0xc: {  	s4 =	smul.u32 $0xC80, s6;
	s11 =	sshrl.u32 s8, $0x1;
	[dreg:$0xa] =	wrdreg s17  }
0xd: {  	s6 =	smul.u32 $0x190000, s6;
	[dreg:$0xb] =	wrdreg s18;
	s1 =	sadd.s32 s1, s14  }
0xe: {  	s12 =	simm.s32 $0x0;
	s7 =	sadd.s32 s4, s0;
	s4 =	sadd.s32 $0xF43A00, s0  }
0xf: {  	s0 =	sadd.s32 $0xA00, s0;
	s6 =	sshrl.u32 s6, $0x3;
	s21 =	sor.u32 $0xC000, s1  }
0x10: {  	s23 =	sor.u32 $0xA000, s1;
	s24 =	sor.u32 $0x8000, s1;
	s25 =	sor.u32 $0x6000, s1  }
0x11: {  	s26 =	sor.u32 $0x4000, s1;
	s29 =	sor.u32 $0x2000, s1;
	s31 =	sor.u32 $0xE000, s1  }
0x12: {  	[dreg:$0x4] =	wrdreg s0;
	s0 =	ssub.s32 s8, s11;
	s7 =	sadd.s32 $0x1600, s7  }
0x13: {  	s19 =	sadd.s32 s9, s6;
	s22 =	sshrl.u32 s21, $0x3;
	s21 =	sshrl.u32 s26, $0x3  }
0x14: {  	s8 =	simm.s32 $0x2;
	s9 =	simm.s32 $0x4;
	[dreg:$0x5] =	wrdreg s7  }
0x15: {  	s11 =	simm.s32 $0x8;
	s0 =	smax.u32 s0, $0x1;
	[dreg:$0x10] =	wrdreg s22  }
0x16: {  	s6 =	sadd.s32 $0x30800, s19;
	s20 =	sadd.s32 $0x31000, s19;
	[dreg:$0xc] =	wrdreg s0  }
.Ltmp0:
0x17: {  	s22 =	sshrl.u32 s29, $0x3;
	[dreg:$0xd] =	wrdreg s6;
	(pc) =	sbr.rel .LBB2_1-.Ltmp0, $4  }
0x18: {  	s7 =	simm.s32 $0x14400;
	[dreg:$0xe] =	wrdreg s20;
	s0 =	sadd.s32 $0x31800, s19  }
0x19: {  	s19 =	sshrl.u32 s24, $0x3;
	s20 =	sshrl.u32 s25, $0x3;
	s24 =	sshrl.u32 s31, $0x3  }
0x1a: {  	s25 =	simm.s32 $0x11;
	[dreg:$0xf] =	wrdreg s0;
	s0 =	sshrl.u32 s23, $0x3  }
0x1b: {  	s6 =	simm.s32 $0x1;
	s23 =	sshrl.u32 s1, $0x3;
	[dreg:$0x11] =	wrdreg s0  }
.LBB2_4:
0x1c: {  	s0 =	simm.s32 $0x9  }
0x1d: {  	_ =	swait.ge [sflag:s0], $0x2000  }
0x1e: {  	[sflag:s0] =	ssyncset.done $0x0  }
0x1f: {  	s16 =	simm.s32 $0xA;
	[sflag:s0] =	ssyncadd.s32 $0xFFFFE000  }
0x20: {  	_ =	swait.ge [sflag:s16], $0x2000  }
0x21: {  	[sflag:s16] =	ssyncset.done $0x0  }
0x22: {  	s17 =	simm.s32 $0xB;
	[sflag:s16] =	ssyncadd.s32 $0xFFFFE000  }
0x23: {  	_ =	swait.ge [sflag:s17], $0x2000  }
0x24: {  	[sflag:s17] =	ssyncset.done $0x0  }
0x25: {  	s18 =	simm.s32 $0xC;
	[sflag:s17] =	ssyncadd.s32 $0xFFFFE000  }
0x26: {  	_ =	swait.ge [sflag:s18], $0x2000  }
0x27: {  	[sflag:s18] =	ssyncset.done $0x0  }
0x28: {  	s26 =	simm.s32 $0xD;
	[sflag:s18] =	ssyncadd.s32 $0xFFFFE000  }
0x29: {  	_ =	swait.ge [sflag:s26], $0x2000  }
0x2a: {  	[sflag:s26] =	ssyncset.done $0x0  }
0x2b: {  	s29 =	simm.s32 $0xE;
	[sflag:s26] =	ssyncadd.s32 $0xFFFFE000  }
0x2c: {  	_ =	swait.ge [sflag:s29], $0x2000  }
0x2d: {  	[sflag:s29] =	ssyncset.done $0x0  }
0x2e: {  	[sflag:s29] =	ssyncadd.s32 $0xFFFFE000  }
0x2f: {  	_ =	swait.ge [sflag:s30], $0x2000  }
0x30: {  	[sflag:s30] =	ssyncset.done $0x0  }
0x31: {  	s1 =	simm.s32 $0x10;
	[sflag:s30] =	ssyncadd.s32 $0xFFFFE000  }
0x32: {  	_ =	swait.ge [sflag:s1], $0x2000  }
0x33: {  	s12 =	rddreg [dreg:$0x12]  }
0x34: {  	s31 =	rddreg [dreg:$0xc];
	s12 =	sadd.s32 $0x1, s12  }
0x35: {  	p1 =	sne.s32 s12, s31  }
.Ltmp1:
0x36: {  	_ = 	snop;
	(pc) =	sbr.rel @!p1 .LBB2_5-.Ltmp1, $3  }
0x37: {  	_ =	sdelay $0x1  }
0x38: {  	[sflag:s1] =	ssyncset.done $0x0  }
0x39: {  	[sflag:s1] =	ssyncadd.s32 $0xFFFFE000  }
.LBB2_1:
0x3a: {  	[dreg:$0x12] =	wrdreg s12  }
0x3b: {  	s0 =	sshrl.u32 @!p0 s2, $0x3;
	s1 =	simm.s32 @!p0 $0x1C11;
	s12 =	rddreg [dreg:$0x4]  }
0x3c: {  	[spmem:s0], [sflag:s1] =	dma.local @!p0 [hbm:s12], $0xA40  }
0x3d: {  	s0 =	simm.s32 @!p0 $0x11  }
0x3e: {  	_ =	swait.ge @!p0 [sflag:s0], $0xA40  }
0x3f: {  	[sflag:s0] =	ssyncset.done @!p0 $0x0  }
0x40: {  	[sflag:s0] =	ssyncadd.s32 @!p0 $0xFFFFF5C0  }
0x41: {  	[bflag:$0x0] =	sbarrier.arrive $0xFFFF  }
0x42: {  	s12 =	rddreg [dreg:$0x5]  }
0x43: {  	[tilespmem:s3], [sflag:$0x11] =	stream.linear.gather [hbm4b:s12+s3], $0x6400, $0x38;
	[tilespmem:$0x16920] =	vst v63  }
0x44: {  	_ =	swait.ge [sflag:s25], $0x6400  }
0x45: {  	[sflag:s25] =	ssyncset.done $0x0  }
0x46: {  	s13 =	simm.s32 $0x6400;
	[sflag:s25] =	ssyncadd.s32 $0xFFFF9C00  }
0x47: {  	[tilespmem:s13], [sflag:$0x11] =	stream.linear.gather [spmem:s2], $0x2000, $0x38;
	[tilespmem:$0x16920] =	vst v63  }
0x48: {  	_ =	swait.ge [sflag:s25], $0x2000  }
0x49: {  	[sflag:s25] =	ssyncset.done $0x0  }
0x4a: {  	[sflag:s25] =	ssyncadd.s32 $0xFFFFE000  }
0x4b: {  	[tilespmem:s13], [sflag:$0x1] =	stream.indirect.gather.add.f32 [hbm:s4], $0x40, s3, s28, $0xb8;
	[tilespmem:$0x16920] =	vst v63  }
0x4c: {  	s15 =	simm.s32 $0x8400;
	s14 =	rddreg [dreg:$0x6]  }
0x4d: {  	[tilespmem:s15], [sflag:$0x11] =	stream.linear.gather [spmem:s14], $0x2000, $0x38;
	[tilespmem:$0x16920] =	vst v63  }
0x4e: {  	_ =	swait.ge [sflag:s25], $0x2000  }
0x4f: {  	[sflag:s25] =	ssyncset.done $0x0  }
0x50: {  	[sflag:s25] =	ssyncadd.s32 $0xFFFFE000  }
0x51: {  	[tilespmem:s15], [sflag:$0x2] =	stream.indirect.gather.add.f32 [hbm:s4], $0x40, s28, s28, $0xb8;
	[tilespmem:$0x16920] =	vst v63  }
0x52: {  	s17 =	simm.s32 $0xA400;
	s16 =	rddreg [dreg:$0x7]  }
0x53: {  	[tilespmem:s17], [sflag:$0x11] =	stream.linear.gather [spmem:s16], $0x2000, $0x38;
	[tilespmem:$0x16920] =	vst v63  }
0x54: {  	_ =	swait.ge [sflag:s25], $0x2000  }
0x55: {  	[sflag:s25] =	ssyncset.done $0x0  }
0x56: {  	s18 =	simm.s32 $0x100;
	[sflag:s25] =	ssyncadd.s32 $0xFFFFE000  }
0x57: {  	[tilespmem:s17], [sflag:$0x3] =	stream.indirect.gather.add.f32 [hbm:s4], $0x40, s18, s28, $0xb8;
	[tilespmem:$0x16920] =	vst v63  }
0x58: {  	s29 =	simm.s32 $0xC400;
	s26 =	rddreg [dreg:$0x8]  }
0x59: {  	[tilespmem:s29], [sflag:$0x11] =	stream.linear.gather [spmem:s26], $0x2000, $0x38;
	[tilespmem:$0x16920] =	vst v63  }
0x5a: {  	_ =	swait.ge [sflag:s25], $0x2000  }
0x5b: {  	[sflag:s25] =	ssyncset.done $0x0  }
0x5c: {  	s12 =	simm.s32 $0x180;
	[sflag:s25] =	ssyncadd.s32 $0xFFFFE000  }
0x5d: {  	[tilespmem:s29], [sflag:$0x4] =	stream.indirect.gather.add.f32 [hbm:s4], $0x40, s12, s28, $0xb8;
	[tilespmem:$0x16920] =	vst v63  }
0x5e: {  	s14 =	simm.s32 $0xE400;
	s13 =	rddreg [dreg:$0x9]  }
0x5f: {  	[tilespmem:s14], [sflag:$0x11] =	stream.linear.gather [spmem:s13], $0x2000, $0x38;
	[tilespmem:$0x16920] =	vst v63  }
0x60: {  	_ =	swait.ge [sflag:s25], $0x2000  }
0x61: {  	[sflag:s25] =	ssyncset.done $0x0  }
0x62: {  	s15 =	simm.s32 $0x200;
	[sflag:s25] =	ssyncadd.s32 $0xFFFFE000  }
0x63: {  	[tilespmem:s14], [sflag:$0x5] =	stream.indirect.gather.add.f32 [hbm:s4], $0x40, s15, s28, $0xb8;
	[tilespmem:$0x16920] =	vst v63  }
0x64: {  	s17 =	simm.s32 $0x10400;
	s16 =	rddreg [dreg:$0xa]  }
0x65: {  	[tilespmem:s17], [sflag:$0x11] =	stream.linear.gather [spmem:s16], $0x2000, $0x38;
	[tilespmem:$0x16920] =	vst v63  }
0x66: {  	_ =	swait.ge [sflag:s25], $0x2000  }
0x67: {  	[sflag:s25] =	ssyncset.done $0x0  }
0x68: {  	s18 =	simm.s32 $0x280;
	[sflag:s25] =	ssyncadd.s32 $0xFFFFE000  }
0x69: {  	[tilespmem:s17], [sflag:$0x6] =	stream.indirect.gather.add.f32 [hbm:s4], $0x40, s18, s28, $0xb8;
	[tilespmem:$0x16920] =	vst v63  }
0x6a: {  	s26 =	rddreg [dreg:$0xb]  }
0x6b: {  	[tilespmem:s5], [sflag:$0x11] =	stream.linear.gather [spmem:s26], $0x2000, $0x38;
	[tilespmem:$0x16920] =	vst v63  }
0x6c: {  	_ =	swait.ge [sflag:s25], $0x2000  }
0x6d: {  	[sflag:s25] =	ssyncset.done $0x0  }
0x6e: {  	s29 =	simm.s32 $0x300;
	[sflag:s25] =	ssyncadd.s32 $0xFFFFE000  }
0x6f: {  	[tilespmem:s5], [sflag:$0x7] =	stream.indirect.gather.add.f32 [hbm:s4], $0x40, s29, s28, $0xb8;
	[tilespmem:$0x16920] =	vst v63  }
0x70: {  	s12 =	simm.s32 $0x700;
	s13 =	simm.s32 $0x700;
	s31 =	rddreg [dreg:$0x1]  }
.LBB2_2:
0x71: {  	s0 =	sadd.s32 $0xFFFFFC80, s12  }
0x72: {  	s1 =	sand.u32 $0xFFF8, s0  }
0x73: {  	s1 =	sshrl.u32 s1, $0x3  }
0x74: {  	s1 =	smul.u32 $0x147B, s1  }
0x75: {  	_ =	swait.ge [sflag:s6], $0x2000;
	s26 =	sadd.s32 s31, s23  }
0x76: {  	s14 =	simm.s32 $0x6400;
	[sflag:s6] =	ssyncset.done $0x0;
	s1 =	sshrl.u32 s1, $0x11  }
0x77: {  	p1 =	seq.s32 s12, $0x700;
	[sflag:s6] =	ssyncadd.s32 $0xFFFFE000;
	s1 =	smul.u32 $0xC8, s1  }
0x78: {  	[hbm4b:s26+s3] =	stream.linear.scatter [tilespmem:s14], [sflag:$0x9], $0x2000, $0x38;
	[tilespmem:$0x16920] =	vst v63  }
0x79: {  	s26 =	simm.s32 @!p1 $0x10;
	s0 =	ssub.s32 s0, s1  }
0x7a: {  	_ =	swait.ge @!p1 [sflag:s26], $0x2000;
	s0 =	sshll.u32 s0, $0x6  }
0x7b: {  	[sflag:s26] =	ssyncset.done @!p1 $0x0;
	s0 =	sand.u32 $0x3FC0, s0  }
0x7c: {  	[sflag:s26] =	ssyncadd.s32 @!p1 $0xFFFFE000;
	s0 =	sadd.s32 s0, s2  }
0x7d: {  	[tilespmem:s7], [sflag:$0x11] =	stream.linear.gather [spmem:s0], $0x2000, $0x38;
	[tilespmem:$0x16920] =	vst v63  }
0x7e: {  	_ =	swait.ge [sflag:s25], $0x2000  }
0x7f: {  	[sflag:s25] =	ssyncset.done $0x0  }
0x80: {  	p1 =	seq.s32 s12, $0x6700;
	s1 =	sadd.s32 $0xFFFFFC80, s13;
	[sflag:s25] =	ssyncadd.s32 $0xFFFFE000  }
0x81: {  	[tilespmem:s7], [sflag:$0x8] =	stream.indirect.gather.add.f32 [hbm:s4], $0x40, s1, s28, $0xb8;
	[tilespmem:$0x16920] =	vst v63  }
0x82: {  	s15 =	simm.s32 $0x8400;
	s1 =	sadd.s32 @!p1 $0xFFFFFD00, s12;
	_ =	swait.ge [sflag:s8], $0x2000  }
0x83: {  	s14 =	sadd.s32 s31, s22;
	s0 =	sand.u32 @!p1 $0xFFF8, s1;
	[sflag:s8] =	ssyncset.done $0x0  }
0x84: {  	s26 =	simm.s32 @p1 $0x3;
	s0 =	sshrl.u32 @!p1 s0, $0x3;
	[sflag:s8] =	ssyncadd.s32 $0xFFFFE000  }
0x85: {  	[hbm4b:s14+s3] =	stream.linear.scatter [tilespmem:s15], [sflag:$0xA], $0x2000, $0x38;
	[tilespmem:$0x16920] =	vst v63  }
0x86: {  	s0 =	smul.u32 @!p1 $0x147B, s0;
	_ =	swait.ge @p1 [sflag:s26], $0x2000  }
0x87: {  	[sflag:s26] =	ssyncset.done @p1 $0x0  }
0x88: {  	s29 =	simm.s32 @p1 $0xA400;
	[sflag:s26] =	ssyncadd.s32 @p1 $0xFFFFE000;
	s26 =	sshrl.u32 @!p1 s0, $0x11  }
0x89: {  	s14 =	rddreg [dreg:$0xd];
	s0 =	simm.s32 @p1 $0x0;
	s26 =	smul.u32 @!p1 $0xC8, s26  }
0x8a: {  	[hbm4b:s14+s0] =	stream.linear.scatter @p1 [tilespmem:s29], [sflag:$0xB], $0x2000, $0x38;
	[tilespmem:$0x16920] =	vst v63  }
0x8b: {  	s29 =	simm.s32 @!p1 $0x9;
	s1 =	ssub.s32 @!p1 s1, s26  }
0x8c: {  	_ =	swait.ge @!p1 [sflag:s29], $0x2000;
	s1 =	sshll.u32 @!p1 s1, $0x6  }
0x8d: {  	s14 =	simm.s32 @!p1 $0x6400;
	[sflag:s29] =	ssyncset.done @!p1 $0x0;
	s1 =	sand.u32 @!p1 $0x3FC0, s1  }
0x8e: {  	s26 =	simm.s32 @!p1 $0x11;
	[sflag:s29] =	ssyncadd.s32 @!p1 $0xFFFFE000;
	s1 =	sadd.s32 @!p1 s1, s2  }
0x8f: {  	[tilespmem:s14], [sflag:$0x11] =	stream.linear.gather @!p1 [spmem:s1], $0x2000, $0x38;
	[tilespmem:$0x16920] =	vst v63  }
0x90: {  	_ =	swait.ge @!p1 [sflag:s26], $0x2000  }
0x91: {  	[sflag:s26] =	ssyncset.done @!p1 $0x0  }
0x92: {  	s29 =	simm.s32 @!p1 $0x80;
	s1 =	sadd.s32 @!p1 $0xFFFFFD00, s13;
	[sflag:s26] =	ssyncadd.s32 @!p1 $0xFFFFE000  }
0x93: {  	[tilespmem:s14], [sflag:$0x1] =	stream.indirect.gather.add.f32 @!p1 [hbm:s4], $0x40, s1, s29, $0xb8;
	[tilespmem:$0x16920] =	vst v63  }
0x94: {  	s14 =	sadd.s32 @!p1 $0xFFFFFD80, s12  }
0x95: {  	s1 =	sand.u32 @!p1 $0xFFF8, s14  }
0x96: {  	s15 =	simm.s32 @!p1 $0x3;
	s1 =	sshrl.u32 @!p1 s1, $0x3  }
0x97: {  	_ =	swait.ge @!p1 [sflag:s15], $0x2000;
	s1 =	smul.u32 @!p1 $0x147B, s1  }
0x98: {  	[sflag:s15] =	ssyncset.done @!p1 $0x0  }
0x99: {  	s17 =	simm.s32 @!p1 $0xA400;
	[sflag:s15] =	ssyncadd.s32 @!p1 $0xFFFFE000;
	s16 =	sshrl.u32 @!p1 s1, $0x11  }
0x9a: {  	s15 =	sadd.s32 @!p1 s31, s21;
	s1 =	simm.s32 @!p1 $0x0;
	s16 =	smul.u32 @!p1 $0xC8, s16  }
0x9b: {  	[hbm4b:s15+s1] =	stream.linear.scatter @!p1 [tilespmem:s17], [sflag:$0xB], $0x2000, $0x38;
	[tilespmem:$0x16920] =	vst v63  }
0x9c: {  	s15 =	simm.s32 @!p1 $0xA;
	s14 =	ssub.s32 @!p1 s14, s16  }
0x9d: {  	_ =	swait.ge @!p1 [sflag:s15], $0x2000;
	s14 =	sshll.u32 @!p1 s14, $0x6  }
0x9e: {  	[sflag:s15] =	ssyncset.done @!p1 $0x0;
	s14 =	sand.u32 @!p1 $0x3FC0, s14  }
0x9f: {  	[sflag:s15] =	ssyncadd.s32 @!p1 $0xFFFFE000;
	s15 =	simm.s32 @!p1 $0x8400;
	s14 =	sadd.s32 @!p1 s14, s2  }
0xa0: {  	[tilespmem:s15], [sflag:$0x11] =	stream.linear.gather @!p1 [spmem:s14], $0x2000, $0x38;
	[tilespmem:$0x16920] =	vst v63  }
0xa1: {  	_ =	swait.ge @!p1 [sflag:s26], $0x2000  }
0xa2: {  	[sflag:s26] =	ssyncset.done @!p1 $0x0  }
0xa3: {  	s14 =	sadd.s32 @!p1 $0xFFFFFD80, s13;
	[sflag:s26] =	ssyncadd.s32 @!p1 $0xFFFFE000  }
0xa4: {  	[tilespmem:s15], [sflag:$0x2] =	stream.indirect.gather.add.f32 @!p1 [hbm:s4], $0x40, s14, s29, $0xb8;
	[tilespmem:$0x16920] =	vst v63  }
0xa5: {  	s14 =	sadd.s32 @!p1 $0xFFFFFE00, s12  }
0xa6: {  	_ =	swait.ge [sflag:s9], $0x2000;
	s15 =	sand.u32 @!p1 $0xFFF8, s14  }
0xa7: {  	s18 =	simm.s32 $0xC400;
	[sflag:s9] =	ssyncset.done $0x0;
	s15 =	sshrl.u32 @!p1 s15, $0x3  }
0xa8: {  	s16 =	sadd.s32 s31, s20;
	[sflag:s9] =	ssyncadd.s32 $0xFFFFE000;
	s15 =	smul.u32 @!p1 $0x147B, s15  }
0xa9: {  	[hbm4b:s16+s3] =	stream.linear.scatter [tilespmem:s18], [sflag:$0xC], $0x2000, $0x38;
	[tilespmem:$0x16920] =	vst v63  }
0xaa: {  	s16 =	simm.s32 @p1 $0x5  }
0xab: {  	_ =	swait.ge @p1 [sflag:s16], $0x2000;
	s15 =	sshrl.u32 @!p1 s15, $0x11  }
0xac: {  	[sflag:s16] =	ssyncset.done @p1 $0x0;
	s15 =	smul.u32 @!p1 $0xC8, s15  }
0xad: {  	s18 =	rddreg [dreg:$0xe];
	[sflag:s16] =	ssyncadd.s32 @p1 $0xFFFFE000;
	s16 =	simm.s32 @p1 $0xE400  }
0xae: {  	[hbm4b:s18+s0] =	stream.linear.scatter @p1 [tilespmem:s16], [sflag:$0xD], $0x2000, $0x38;
	[tilespmem:$0x16920] =	vst v63  }
0xaf: {  	s16 =	simm.s32 @!p1 $0xB;
	s14 =	ssub.s32 @!p1 s14, s15  }
0xb0: {  	_ =	swait.ge @!p1 [sflag:s16], $0x2000;
	s14 =	sshll.u32 @!p1 s14, $0x6  }
0xb1: {  	[sflag:s16] =	ssyncset.done @!p1 $0x0;
	s14 =	sand.u32 @!p1 $0x3FC0, s14  }
0xb2: {  	[sflag:s16] =	ssyncadd.s32 @!p1 $0xFFFFE000;
	s14 =	sadd.s32 @!p1 s14, s2  }
0xb3: {  	[tilespmem:s17], [sflag:$0x11] =	stream.linear.gather @!p1 [spmem:s14], $0x2000, $0x38;
	[tilespmem:$0x16920] =	vst v63  }
0xb4: {  	_ =	swait.ge @!p1 [sflag:s26], $0x2000  }
0xb5: {  	[sflag:s26] =	ssyncset.done @!p1 $0x0  }
0xb6: {  	s14 =	sadd.s32 @!p1 $0xFFFFFE00, s13;
	[sflag:s26] =	ssyncadd.s32 @!p1 $0xFFFFE000  }
0xb7: {  	[tilespmem:s17], [sflag:$0x3] =	stream.indirect.gather.add.f32 @!p1 [hbm:s4], $0x40, s14, s29, $0xb8;
	[tilespmem:$0x16920] =	vst v63  }
0xb8: {  	s14 =	sadd.s32 @!p1 $0xFFFFFE80, s12  }
0xb9: {  	s15 =	sand.u32 @!p1 $0xFFF8, s14  }
0xba: {  	s15 =	sshrl.u32 @!p1 s15, $0x3  }
0xbb: {  	s16 =	simm.s32 @!p1 $0x5;
	s15 =	smul.u32 @!p1 $0x147B, s15  }
0xbc: {  	_ =	swait.ge @!p1 [sflag:s16], $0x2000  }
0xbd: {  	s17 =	simm.s32 @!p1 $0xE400;
	[sflag:s16] =	ssyncset.done @!p1 $0x0;
	s15 =	sshrl.u32 @!p1 s15, $0x11  }
0xbe: {  	[sflag:s16] =	ssyncadd.s32 @!p1 $0xFFFFE000;
	s16 =	sadd.s32 @!p1 s31, s19;
	s15 =	smul.u32 @!p1 $0xC8, s15  }
0xbf: {  	[hbm4b:s16+s1] =	stream.linear.scatter @!p1 [tilespmem:s17], [sflag:$0xD], $0x2000, $0x38;
	[tilespmem:$0x16920] =	vst v63  }
0xc0: {  	s16 =	simm.s32 @!p1 $0xC;
	s14 =	ssub.s32 @!p1 s14, s15  }
0xc1: {  	_ =	swait.ge @!p1 [sflag:s16], $0x2000;
	s14 =	sshll.u32 @!p1 s14, $0x6  }
0xc2: {  	[sflag:s16] =	ssyncset.done @!p1 $0x0;
	s14 =	sand.u32 @!p1 $0x3FC0, s14  }
0xc3: {  	[sflag:s16] =	ssyncadd.s32 @!p1 $0xFFFFE000;
	s15 =	simm.s32 @!p1 $0xC400;
	s14 =	sadd.s32 @!p1 s14, s2  }
0xc4: {  	[tilespmem:s15], [sflag:$0x11] =	stream.linear.gather @!p1 [spmem:s14], $0x2000, $0x38;
	[tilespmem:$0x16920] =	vst v63  }
0xc5: {  	_ =	swait.ge @!p1 [sflag:s26], $0x2000  }
0xc6: {  	[sflag:s26] =	ssyncset.done @!p1 $0x0  }
0xc7: {  	s14 =	sadd.s32 @!p1 $0xFFFFFE80, s13;
	[sflag:s26] =	ssyncadd.s32 @!p1 $0xFFFFE000  }
0xc8: {  	[tilespmem:s15], [sflag:$0x4] =	stream.indirect.gather.add.f32 @!p1 [hbm:s4], $0x40, s14, s29, $0xb8;
	[tilespmem:$0x16920] =	vst v63  }
0xc9: {  	_ =	swait.ge [sflag:s10], $0x2000  }
0xca: {  	[sflag:s10] =	ssyncset.done $0x0;
	s16 =	rddreg [dreg:$0x11]  }
0xcb: {  	s18 =	simm.s32 $0x10400;
	[sflag:s10] =	ssyncadd.s32 $0xFFFFE000;
	s14 =	sadd.s32 s31, s16  }
0xcc: {  	[hbm4b:s14+s3] =	stream.linear.scatter [tilespmem:s18], [sflag:$0xE], $0x2000, $0x38;
	[tilespmem:$0x16920] =	vst v63  }
0xcd: {  	s14 =	sadd.s32 @!p1 $0xFFFFFF00, s12  }
0xce: {  	s15 =	sand.u32 @!p1 $0xFFF8, s14  }
0xcf: {  	s15 =	sshrl.u32 @!p1 s15, $0x3  }
0xd0: {  	s16 =	simm.s32 @p1 $0x7;
	s15 =	smul.u32 @!p1 $0x147B, s15  }
0xd1: {  	_ =	swait.ge @p1 [sflag:s16], $0x2000  }
0xd2: {  	[sflag:s16] =	ssyncset.done @p1 $0x0;
	s18 =	rddreg [dreg:$0xf];
	s15 =	sshrl.u32 @!p1 s15, $0x11  }
0xd3: {  	[sflag:s16] =	ssyncadd.s32 @p1 $0xFFFFE000;
	s16 =	simm.s32 @p1 $0x12400;
	s15 =	smul.u32 @!p1 $0xC8, s15  }
0xd4: {  	[hbm4b:s18+s0] =	stream.linear.scatter @p1 [tilespmem:s16], [sflag:$0xF], $0x2000, $0x38;
	[tilespmem:$0x16920] =	vst v63  }
0xd5: {  	s0 =	simm.s32 @!p1 $0xD;
	s14 =	ssub.s32 @!p1 s14, s15  }
0xd6: {  	_ =	swait.ge @!p1 [sflag:s0], $0x2000;
	s14 =	sshll.u32 @!p1 s14, $0x6  }
0xd7: {  	[sflag:s0] =	ssyncset.done @!p1 $0x0;
	s14 =	sand.u32 @!p1 $0x3FC0, s14  }
0xd8: {  	[sflag:s0] =	ssyncadd.s32 @!p1 $0xFFFFE000;
	s0 =	sadd.s32 @!p1 s14, s2  }
0xd9: {  	[tilespmem:s17], [sflag:$0x11] =	stream.linear.gather @!p1 [spmem:s0], $0x2000, $0x38;
	[tilespmem:$0x16920] =	vst v63  }
0xda: {  	_ =	swait.ge @!p1 [sflag:s26], $0x2000  }
0xdb: {  	[sflag:s26] =	ssyncset.done @!p1 $0x0  }
0xdc: {  	s0 =	sadd.s32 @!p1 $0xFFFFFF00, s13;
	[sflag:s26] =	ssyncadd.s32 @!p1 $0xFFFFE000  }
0xdd: {  	[tilespmem:s17], [sflag:$0x5] =	stream.indirect.gather.add.f32 @!p1 [hbm:s4], $0x40, s0, s29, $0xb8;
	[tilespmem:$0x16920] =	vst v63  }
0xde: {  	s0 =	sadd.s32 @!p1 $0xFFFFFF80, s12  }
0xdf: {  	s14 =	sand.u32 @!p1 $0xFFF8, s0  }
0xe0: {  	s15 =	simm.s32 @!p1 $0x7;
	s14 =	sshrl.u32 @!p1 s14, $0x3  }
0xe1: {  	_ =	swait.ge @!p1 [sflag:s15], $0x2000;
	s14 =	smul.u32 @!p1 $0x147B, s14  }
0xe2: {  	[sflag:s15] =	ssyncset.done @!p1 $0x0  }
0xe3: {  	[sflag:s15] =	ssyncadd.s32 @!p1 $0xFFFFE000;
	s15 =	rddreg [dreg:$0x10];
	s14 =	sshrl.u32 @!p1 s14, $0x11  }
0xe4: {  	s16 =	simm.s32 @!p1 $0x12400;
	s15 =	sadd.s32 @!p1 s31, s15;
	s14 =	smul.u32 @!p1 $0xC8, s14  }
0xe5: {  	[hbm4b:s15+s1] =	stream.linear.scatter @!p1 [tilespmem:s16], [sflag:$0xF], $0x2000, $0x38;
	[tilespmem:$0x16920] =	vst v63  }
0xe6: {  	s1 =	simm.s32 @!p1 $0xE;
	s0 =	ssub.s32 @!p1 s0, s14  }
0xe7: {  	_ =	swait.ge @!p1 [sflag:s1], $0x2000;
	s0 =	sshll.u32 @!p1 s0, $0x6  }
0xe8: {  	[sflag:s1] =	ssyncset.done @!p1 $0x0;
	s0 =	sand.u32 @!p1 $0x3FC0, s0  }
0xe9: {  	[sflag:s1] =	ssyncadd.s32 @!p1 $0xFFFFE000;
	s1 =	simm.s32 @!p1 $0x10400;
	s0 =	sadd.s32 @!p1 s0, s2  }
0xea: {  	[tilespmem:s1], [sflag:$0x11] =	stream.linear.gather @!p1 [spmem:s0], $0x2000, $0x38;
	[tilespmem:$0x16920] =	vst v63  }
0xeb: {  	_ =	swait.ge @!p1 [sflag:s26], $0x2000  }
0xec: {  	[sflag:s26] =	ssyncset.done @!p1 $0x0  }
0xed: {  	s0 =	sadd.s32 @!p1 $0xFFFFFF80, s13;
	[sflag:s26] =	ssyncadd.s32 @!p1 $0xFFFFE000  }
0xee: {  	[tilespmem:s1], [sflag:$0x6] =	stream.indirect.gather.add.f32 @!p1 [hbm:s4], $0x40, s0, s29, $0xb8;
	[tilespmem:$0x16920] =	vst v63  }
.Ltmp2:
0xef: {  	_ = 	snop;
	(pc) =	sbr.rel @p1 .LBB2_4-.Ltmp2, $4  }
0xf0: {  	_ =	swait.ge [sflag:s11], $0x2000  }
0xf1: {  	[sflag:s11] =	ssyncset.done $0x0  }
0xf2: {  	s29 =	sadd.s32 s31, s24;
	[sflag:s11] =	ssyncadd.s32 $0xFFFFE000  }
0xf3: {  	[hbm4b:s29+s3] =	stream.linear.scatter [tilespmem:s7], [sflag:$0x10], $0x2000, $0x38;
	[tilespmem:$0x16920] =	vst v63  }
0xf4: {  	s0 =	sand.u32 $0xFFF8, s12  }
0xf5: {  	s0 =	sshrl.u32 s0, $0x3  }
0xf6: {  	s0 =	smul.u32 $0x147B, s0;
	_ =	sdelay $0x1  }
0xf7: {  	s0 =	sshrl.u32 s0, $0x11  }
0xf8: {  	s0 =	smul.u32 $0xC8, s0;
	_ =	sdelay $0x1  }
0xf9: {  	s0 =	ssub.s32 s12, s0  }
0xfa: {  	_ =	swait.ge [sflag:s30], $0x2000;
	s0 =	sshll.u32 s0, $0x6  }
0xfb: {  	[sflag:s30] =	ssyncset.done $0x0;
	s0 =	sand.u32 $0x3FC0, s0  }
0xfc: {  	[sflag:s30] =	ssyncadd.s32 $0xFFFFE000;
	s0 =	sadd.s32 s0, s2  }
0xfd: {  	[tilespmem:s5], [sflag:$0x11] =	stream.linear.gather [spmem:s0], $0x2000, $0x38;
	[tilespmem:$0x16920] =	vst v63  }
.Ltmp3:
0xfe: {  	_ =	swait.ge [sflag:s25], $0x2000;
	(pc) =	sbr.rel .LBB2_2-.Ltmp3, $4  }
0xff: {  	[sflag:s25] =	ssyncset.done $0x0  }
0x100: {  	[sflag:s25] =	ssyncadd.s32 $0xFFFFE000  }
0x101: {  	[tilespmem:s5], [sflag:$0x7] =	stream.indirect.gather.add.f32 [hbm:s4], $0x40, s13, s28, $0xb8;
	[tilespmem:$0x16920] =	vst v63  }
0x102: {  	s31 =	sadd.s32 $0x2000, s31;
	s12 =	sadd.s32 $0x400, s12;
	s13 =	sadd.s32 $0x400, s13  }
.LBB2_5:
0x103: {  	_ =	sfence.sel $0x180000  }
0x104: {  	[bflag:$0x0] =	sbarrier.arrive $0xFFFF  }
0x105: {  	_ =	strace $0x90000047  }
0x106: {  	[bflag:$0x2] =	sbarrier.arrive $0xFFFF  }
0x107: {  	s0 =	rddreg [dreg:$0x3]  }
0x108: {  	s0 =	sadd.s32 @!p0 $0x100000, s0  }
0x109: {  	[sflag:s0] =	ssyncadd.tile.s32 @!p0 $0x1;
	_ =	shalt  }
.Lfunc_end2:
_tile_overlayer_lowered:
.L_overlay_start_2:
0x10a: {  	(tag) =	ssettag $0x2  }
0x10b: {  	s0 =	rddreg [dreg:$0x0];
	s2 =	stileid.u32  }
0x10c: {  	s1 =	rddreg [dreg:$0x1];
	p0 =	sne.s32 s2, $0x0  }
0x10d: {  	s3 =	rddreg [dreg:$0x2];
	[bflag:$0x3] =	sbarrier.arrive $0xFFFF;
	s2 =	simm.s32 @!p0 $0x1C11  }
0x10e: {  	[timem:s3], [sflag:s2] =	dma.local @!p0 [hbm:s0], s1  }
0x10f: {  	s0 =	simm.s32 @!p0 $0x11  }
0x110: {  	_ =	swait.ge @!p0 [sflag:s0], s1  }
0x111: {  	s1 =	ssub.s32 @!p0 $0x0, s1;
	[sflag:s0] =	ssyncset.done @!p0 $0x0  }
0x112: {  	[sflag:s0] =	ssyncadd.s32 @!p0 s1  }
0x113: {  	[bflag:$0x3] =	sbarrier.arrive $0xFFFF  }
0x114: {  	_ =	shalt  }

// kernel: sparse-core-data-format-call.cloned.1.call-start
scs
called_computation_lowered:
.L_overlay_start_0:
0x0: {  	s2 =	sld [smem:$0x3FD9]  }
0x1: {  	s3 =	sld [smem:$0x3FFE];
	_ =	sdelay $0x1  }
0x2: {  	s1 =	srdreg.scid  }
0x3: {  	s0 =	sand.u32 $0x1, s1  }
0x4: {  	s18 =	sshll.u32 s0, $0xA;
	s2 =	sadd.s32 s3, s2  }
0x5: {  	s2 =	sadd.s32 s2, s18  }
0x6: {  	[smem:$0x3FC5] =	sst s2  }
0x7: {  	_ = 	snop  }
0x8: {  	s2 =	sld [smem:$0x3FD0];
	(tm) =	ssettm $0x1  }
0x9: {  	s19 =	sld [smem:$0x3FFB];
	_ =	sdelay $0x3  }
0xa: {  	_ =	strace s19  }
0xb: {  	s3 =	sld [smem:$0x3FFC];
	_ =	sdelay $0x3  }
0xc: {  	_ =	strace s3  }
0xd: {  	s3 =	sld [smem:$0x3FFD];
	_ =	sdelay $0x3  }
0xe: {  	_ =	strace s3  }
0xf: {  	_ =	strace $0x8FFFFFFF  }
0x10: {  	s20 =	sld [smem:$0x3FDB];
	_ =	sdelay $0x1  }
0x11: {  	s4 =	simm.s32 $_scs_section_size  }
0x12: {  	s5 =	simm.s32 $_size__tile_overlayer_lowered;
	s6 =	simm.s32 $_tile_overlayer_lowered  }
0x13: {  	s23 =	simm.s32 $0x1BFF;
	s22 =	sshll.u32 s6, $0x1;
	s3 =	sadd.s32 s4, s20  }
0x14: {  	s7 =	simm.s32 $0x0;
	s21 =	sshll.u32 s5, $0x1;
	s5 =	sadd.s32 s22, s3  }
0x15: {  	[timem:s7], [sflag:s23] =	dma.local [hbm:s5], s21  }
0x16: {  	_ =	swait.ge [sflag:s23], s21  }
0x17: {  	s4 =	ssub.s32 $0x0, s21;
	[sflag:s23] =	ssyncset.done $0x0  }
0x18: {  	[sflag:s23] =	ssyncadd.s32 s4;
	_ =	sdelay $0x1  }
0x19: {  	s24 =	simm.s32 $0x1B8B  }
0x1a: {  	_ =	swait.ge [sflag:s24], $0x1  }
0x1b: {  	[sflag:s24] =	ssyncset.done $0x0  }
0x1c: {  	s26 =	simm.s32 $0x1B8E;
	s25 =	sld [smem:$0x3FFE];
	[sflag:s24] =	ssyncadd.s32 $0xFFFFFFFF  }
0x1d: {  	s27 =	simm.s32 $execute0_lowered;
	[smem:$0x3FD2] =	sst s26  }
0x1e: {  	s5 =	sshll.u32 s27, $0x1;
	_ =	strace $0x80000049;
	[dreg:$0x1] =	wrdreg $0xFFFFFFFF  }
0x1f: {  	s28 =	simm.s32 $_size_execute0_lowered;
	s3 =	sadd.s32 s3, s5;
	[dreg:$0x0] =	wrdreg $0x0  }
0x20: {  	s5 =	sshll.u32 s28, $0x1;
	[dreg:$0x2] =	wrdreg s3  }
0x21: {  	[dreg:$0x3] =	wrdreg s5  }
0x22: {  	[dreg:$0x4] =	wrdreg $0xC0  }
0x23: {  	_ =	task [dreg:s7], $0x5FFFF  }
0x24: {  	[dreg:$0x1] =	wrdreg $0xFFFFFFFF  }
0x25: {  	[dreg:$0x0] =	wrdreg $0x60  }
0x26: {  	[dreg:$0x2] =	wrdreg s25  }
0x27: {  	[dreg:$0x3] =	wrdreg s2  }
0x28: {  	[dreg:$0x4] =	wrdreg $0x9  }
0x29: {  	_ =	task.clear_ibuf [dreg:s7], $0x5FFFF;
	_ =	strace $0x90000049  }
0x2a: {  	s29 =	simm.s32 $0x9;
	_ =	strace $0x8000004B  }
0x2b: {  	_ =	swait.ge [sflag:s29], $0x1  }
0x2c: {  	[sflag:s29] =	ssyncadd.s32 $0xFFFFFFFF  }
0x2d: {  	_ =	strace $0x9000004B  }
0x2e: {  	_ =	sfence  }
0x2f: {  	s30 =	sld [smem:$0x0];
	_ =	sdelay $0x2  }
0x30: {  	s31 =	sshll.u32 s1, $0xD;
	s1 =	sshrl.u32 s1, $0x2  }
0x31: {  	s3 =	sand.u32 $0x4000, s31;
	s1 =	sadd.s32 s1, s30  }
0x32: {  	s0 =	sor.u32 s3, s0;
	s1 =	sshll.u32 s1, $0x11  }
0x33: {  	s0 =	sor.u32 s1, s0  }
0x34: {  	s0 =	sadd.s32 $0x8F2B, s0  }
0x35: {  	[sflag:s0] =	ssyncadd.remote.s32 $0x1  }
0x36: {  	_ =	sfence.sel $0xFFFF  }
0x37: {  	[dreg:$0x0] =	wrdreg $0xFFFFFFFF;
	(pc) =	sbr.abs _section_cstart, $3  }
0x38: {  	[dreg:$0x1] =	wrdreg $0xFFFFFFFF  }
0x39: {  	_ =	task.clear_ibuf [dreg:s7], $0x2FFFF;
	_ =	strace $0x9FFFFFFF  }
0x3a: {  	(tm) =	ssettm $0x7FFFFFFF  }
0x3b: {  	_ =	shalt  }
tec
execute0_lowered:
.L_overlay_start_1:
0x0: {  	(tag) =	ssettag $0x1  }
0x1: {  	s0 =	srdreg.scid  }
0x2: {  	s1 =	sshll.u32 s0, $0x4  }
0x3: {  	s0 =	stileid.u32;
	s1 =	sand.u32 $0x10, s1  }
0x4: {  	s1 =	sor.u32 s0, s1  }
0x5: {  	s6 =	rddreg [dreg:$0x0];
	s4 =	simm.s32 $0x1;
	s2 =	sshll.u32 s1, $0x7  }
0x6: {  	s7 =	simm.s32 $0x2;
	s12 =	simm.s32 $0x0;
	s1 =	ssub.s32 $0x1000, s2  }
0x7: {  	s8 =	simm.s32 $0x8000;
	s13 =	simm.s32 $0x0;
	s3 =	sand.u32 $0xF80, s1  }
0x8: {  	s9 =	simm.s32 $0x0;
	s5 =	sshrl.u32 s1, $0xC;
	p0 =	sne.s32 s3, $0x0  }
.Ltmp0:
0x9: {  	s1 =	rddreg [dreg:$0x2];
	s4 =	simm.s32 @!p0 $0x0;
	(pc) =	sbr.rel .LBB1_1-.Ltmp0, $4  }
0xa: {  	s11 =	simm.s32 $0x0;
	s3 =	rddreg [dreg:$0x1];
	s5 =	sadd.s32 s4, s5  }
0xb: {  	_ =	strace $0x8000004A;
	s4 =	simm.s32 $0x1;
	s5 =	smul.u32 $0xC8, s5  }
0xc: {  	s6 =	sadd.s32 $0xA00, s6;
	s10 =	smov.u32 s2;
	[sflag:s4] =	ssyncpa.u1 $0x0  }
0xd: {  	p0 =	por $0x0, $0x0;
	[sflag:s7] =	ssyncpa.u1 $0x0;
	s7 =	sor.u32 $0x1, s5  }
.LBB1_4:
0xe: {  	s16 =	sshll.u32 s13, $0x3;
	s17 =	sand.u32 $0x78, s13  }
0xf: {  	s30 =	sand.u32 $0x7E00, s13;
	s12 =	sshll.u32 s12, $0xF;
	s16 =	sand.u32 $0xC00, s16  }
0x10: {  	[tilespmem:s15+$0x810 ss:$0x81] =	vst.msk $0xffff, v2;
	s31 =	sand.u32 $0x7, s13;
	s16 =	sor.u32 s17, s16;
	s17 =	sadd.s32 s3, s30  }
0x11: {  	[tilespmem:s15+$0x1020 ss:$0x81] =	vst.msk $0xffff, v0;
	s13 =	sshll.u32 s31, $0x12;
	s12 =	sadd.s32 s12, s17;
	s16 =	sshrl.u32 s16, $0x3  }
0x12: {  	[tilespmem:s15+$0x0 ss:$0x81] =	vst.msk $0xffff, v1;
	s13 =	sor.u32 $0x400, s13;
	s12 =	sadd.s32 s16, s12  }
0x13: {  	[hbm4b:s12+s13] =	stream.strided.scatter [tilespmem:s14], [sflag:$0x2], $0x2000, s8, s13, $0x20;
	[tilespmem:$0x8080] =	vst v63  }
.LBB1_5:
0x14: {  	s14 =	sadd.s32 $0x1, s9  }
0x15: {  	s12 =	sadd.s32 $0x1000, s10;
	s16 =	smov.u32 s10;
	p2 =	sgt.s32 s14, $0xC7  }
0x16: {  	s16 =	smov.u32 @p2 s12  }
0x17: {  	s14 =	simm.s32 @p2 $0x0;
	p2 =	sgt.s32 s16, $0xFFF  }
0x18: {  	s16 =	smov.u32 @p2 s2;
	p2 =	sne.s32 s11, s7  }
.Ltmp1:
0x19: {  	p1 =	slt.u32 s11, $0x2;
	(pc) =	sbr.rel @!p2 .LBB1_6-.Ltmp1, $4  }
0x1a: {  	s15 =	simm.s32 @!p1 $0x2  }
0x1b: {  	s13 =	smov.u32 s10;
	p0 =	por !p0, !p0;
	_ =	swait.ge @!p1 [sflag:s15], $0x2000  }
0x1c: {  	s12 =	smov.u32 s9;
	[sflag:s15] =	ssyncset.done @!p1 $0x0;
	s9 =	smov.u32 s14  }
0x1d: {  	s11 =	sadd.s32 $0x1, s11;
	[sflag:s15] =	ssyncadd.s32 @!p1 $0xFFFFE000;
	s10 =	smov.u32 s16  }
.LBB1_1:
0x1e: {  	p1 =	sge.u32 s11, s5  }
0x1f: {  	s14 =	sand.u32 @!p1 $0x1FFFFFF, s9  }
0x20: {  	s15 =	smulhi.u32 @!p1 $0x147AE15, s14;
	_ =	sdelay $0x1  }
0x21: {  	s15 =	smul.u32 @!p1 $0xC8, s15  }
0x22: {  	s16 =	sxor.u32 @!p1 $0xFFFFFFFF, s11;
	s17 =	smul.u32 @!p1 $0xC80, s10  }
0x23: {  	s31 =	sadd.s32 $0xFFFFFFFF, s11;
	s16 =	sshll.u32 @!p1 s16, $0xD;
	s14 =	ssub.s32 @!p1 s14, s15  }
0x24: {  	s15 =	sand.u32 @!p1 $0x2000, s16;
	s16 =	sadd.s32 @!p1 s6, s17;
	s14 =	sshll.u32 @!p1 s14, $0x4  }
0x25: {  	s17 =	simm.s32 @!p1 $0x6400;
	s14 =	sadd.s32 @!p1 s14, s16;
	s16 =	simm.s32 @!p1 $0x40  }
0x26: {  	[tilespmem:s15], [sflag:$0x1] =	stream.strided.gather @!p1 [hbm4b:s14+s16], $0x2000, s17, s16, $0x38;
	[tilespmem:$0x8080] =	vst v63  }
0x27: {  	p1 =	sge.u32 s31, s5  }
.Ltmp2:
0x28: {  	_ = 	snop;
	(pc) =	sbr.rel @p1 .LBB1_5-.Ltmp2, $1  }
0x29: {  	_ =	sdelay $0x3  }
0x2a: {  	s14 =	simm.s32 $0x1  }
0x2b: {  	_ =	swait.ge [sflag:s4], $0x2000;
	s14 =	simm.s32 @!p0 $0x0  }
0x2c: {  	[sflag:s4] =	ssyncset.done $0x0;
	s15 =	sshll.u32 s14, $0xD  }
0x2d: {  	[sflag:s4] =	ssyncadd.s32 $0xFFFFE000;
	s18 =	sor.u32 $0x20, s15  }
0x2e: {  	s14 =	smul.u32 $0x8100, s14;
	v3 =	vld [tilespmem:s18+$0x10]  }
0x2f: {  	s30 =	sand.u32 $0x1, s11;
	v2 =	vld [tilespmem:s18+$0xFFFFFFF0]  }
0x30: {  	s15 =	smul.u32 $0x8100, s30;
	s14 =	sshrl.u32 s14, $0x2;
	v0 =	vld [tilespmem:s18+$0x0]  }
0x31: {  	v1 =	vld [tilespmem:s18+$0xFFFFFFE0];
	s16 =	sor.u32 $0x4000, s14  }
0x32: {  	s31 =	sshrl.u32 s15, $0x2;
	s15 =	sadd.s32 $0x0, s16  }
0x33: {  	s17 =	simm.s32 $0x4;
	s18 =	sadd.s32 $0x40, s18;
	s14 =	sor.u32 $0x4000, s31;
	[tilespmem:s15+$0x1830 ss:$0x81] =	vst.msk $0xffff, v3  }
.LBB1_3:
0x34: {  	v3 =	vld [tilespmem:s18+$0x10];
	p1 =	sne.s32 s17, $0x1FC;
	[tilespmem:s15+$0x810 ss:$0x81] =	vst.msk $0xffff, v2;
	s19 =	smov.u32 s17;
	s17 =	sadd.s32 $0x4, s17  }
.Ltmp3:
0x35: {  	v2 =	vld [tilespmem:s18+$0xFFFFFFF0];
	[tilespmem:s15+$0x1020 ss:$0x81] =	vst.msk $0xffff, v0;
	(pc) =	sbr.rel @p1 .LBB1_3-.Ltmp3, $4  }
0x36: {  	v0 =	vld [tilespmem:s18+$0x0];
	[tilespmem:s15+$0x0 ss:$0x81] =	vst.msk $0xffff, v1  }
0x37: {  	s15 =	sshra.s32 s19, $0x2;
	v1 =	vld [tilespmem:s18+$0xFFFFFFE0]  }
0x38: {  	s15 =	sadd.s32 s15, s16  }
0x39: {  	s18 =	sadd.s32 $0x40, s18;
	[tilespmem:s15+$0x1830 ss:$0x81] =	vst.msk $0xffff, v3  }
.Ltmp4:
0x3a: {  	_ = 	snop;
	(pc) =	sbr.rel .LBB1_4-.Ltmp4, $1  }
0x3b: {  	_ =	sdelay $0x3  }
.LBB1_6:
0x3c: {  	_ =	sfence.sel $0x180000  }
0x3d: {  	s2 =	simm.s32 $0x1;
	[bflag:$0x0] =	sbarrier.arrive $0xFFFF  }
0x3e: {  	s31 =	simm.s32 $0x2;
	[sflag:s2] =	ssyncpa.u1 $0x1  }
0x3f: {  	[sflag:s31] =	ssyncpa.u1 $0x1  }
0x40: {  	p0 =	sne.s32 s0, $0x0;
	_ =	strace $0x9000004A  }
0x41: {  	s0 =	sadd.s32 @!p0 $0x100000, s1;
	[bflag:$0x2] =	sbarrier.arrive $0xFFFF  }
0x42: {  	[sflag:s0] =	ssyncadd.tile.s32 @!p0 $0x1;
	_ =	shalt  }
.Lfunc_end1:
_tile_overlayer_lowered:
.L_overlay_start_2:
0x43: {  	(tag) =	ssettag $0x2  }
0x44: {  	s0 =	rddreg [dreg:$0x0];
	s2 =	stileid.u32  }
0x45: {  	s1 =	rddreg [dreg:$0x1];
	p0 =	sne.s32 s2, $0x0  }
0x46: {  	s3 =	rddreg [dreg:$0x2];
	[bflag:$0x3] =	sbarrier.arrive $0xFFFF;
	s2 =	simm.s32 @!p0 $0x1C01  }
0x47: {  	[timem:s3], [sflag:s2] =	dma.local @!p0 [hbm:s0], s1  }
0x48: {  	s0 =	simm.s32 @!p0 $0x1  }
0x49: {  	_ =	swait.ge @!p0 [sflag:s0], s1  }
0x4a: {  	s1 =	ssub.s32 @!p0 $0x0, s1;
	[sflag:s0] =	ssyncset.done @!p0 $0x0  }
0x4b: {  	[sflag:s0] =	ssyncadd.s32 @!p0 s1  }
0x4c: {  	[bflag:$0x3] =	sbarrier.arrive $0xFFFF  }
0x4d: {  	_ =	shalt  }

</sc_bundles>
